<compile_context>
chip_gen: v7x
topology: tpu7x:2x2x1
jax: 0.10.2.dev20260603
libtpu: 0.0.44.dev20260713+nightly
codegen_flags: <defaults>
</compile_context>

<pallas_src>
import functools

import jax
import jax.numpy as jnp
from jax import lax
from jax.experimental import pallas as pl
from jax.experimental.pallas import tpu as pltpu
from jax.experimental.pallas import tpu_sc as plsc

D = 64
B = 819200
NH = 2
BH = B // NH
NC = 2
NS = 16
NW = NC * NS
BPW = BH // NW
SUB = 128
GPC = 2
CHUNK = SUB * GPC
NSUB = BPW // SUB
NCH = NSUB // GPC


def _sc_gather_half(idx3, table):
    mesh = plsc.VectorSubcoreMesh(core_axis_name="c", subcore_axis_name="s")

    @functools.partial(
        pl.kernel,
        mesh=mesh,
        compiler_params=pltpu.CompilerParams(use_tc_tiling_on_sc=False),
        out_type=jax.ShapeDtypeStruct((BH // CHUNK, CHUNK, D), jnp.float32),
        scratch_types=[
            pltpu.VMEM((NSUB, SUB), jnp.int32),
            pltpu.VMEM((CHUNK, D), jnp.float32),
            pltpu.VMEM((CHUNK, D), jnp.float32),
            pltpu.SemaphoreType.DMA,
            pltpu.SemaphoreType.DMA,
            pltpu.SemaphoreType.DMA,
            pltpu.SemaphoreType.DMA,
        ],
    )
    def k(idx_hbm, table_hbm, out_hbm, idx_v, buf0, buf1,
          gsem0, gsem1, wsem0, wsem1):
        wid = lax.axis_index("s") * NC + lax.axis_index("c")
        pltpu.sync_copy(idx_hbm.at[wid], idx_v)
        bufs = (buf0, buf1)
        gsems = (gsem0, gsem1)
        wsems = (wsem0, wsem1)

        def issue_gather(c, b):
            for i in range(GPC):
                pltpu.async_copy(
                    table_hbm.at[idx_v.at[c * GPC + i]],
                    bufs[b].at[pl.ds(i * SUB, SUB)], gsems[b])

        def wait_gather(c, b):
            for i in range(GPC):
                pltpu.make_async_copy(
                    table_hbm.at[idx_v.at[c * GPC + i]],
                    bufs[b].at[pl.ds(i * SUB, SUB)], gsems[b]).wait()

        def issue_write(c, b):
            pltpu.async_copy(bufs[b], out_hbm.at[wid * NCH + c], wsems[b])

        def wait_write(c, b):
            pltpu.make_async_copy(
                bufs[b], out_hbm.at[wid * NCH + c], wsems[b]).wait()

        issue_gather(0, 0)
        wait_gather(0, 0)
        issue_write(0, 0)
        issue_gather(1, 1)

        def body(p, carry):
            c = 1 + 2 * p
            wait_gather(c, 1)
            issue_write(c, 1)
            wait_write(c - 1, 0)
            issue_gather(c + 1, 0)
            wait_gather(c + 1, 0)
            issue_write(c + 1, 0)
            wait_write(c, 1)
            issue_gather(c + 2, 1)
            return carry

        lax.fori_loop(0, (NCH - 2) // 2, body, 0)
        wait_gather(NCH - 1, 1)
        issue_write(NCH - 1, 1)
        wait_write(NCH - 2, 0)
        wait_write(NCH - 1, 1)

    return k(idx3, table)


def kernel(indices, batch_sizes, table):
    del batch_sizes
    idx = indices.astype(jnp.int32)
    halves = []
    for h in range(NH):
        idx3 = lax.slice(idx, (h * BH,), ((h + 1) * BH,)).reshape(
            NW, NSUB, SUB)
        halves.append(_sc_gather_half(idx3, table))
    return jnp.concatenate(halves, axis=0).reshape(B, D)

# --- scband reference (transcript-rebuilt; emitter-appended) ---
"""Pipeline reference for scband-embedding-40097814676022 (READ-ONLY COPY).

The authoritative reference and input builder live on the scoring server;
editing this copy changes nothing except your own understanding.
"""

import jax, jax.numpy as jnp
import numpy as np

VOCAB = 1000000
EMB_DIM = 64
TOTAL_TOKENS = 819200
MAX_LEN = 200


def setup_inputs(seed: int = 0) -> dict:
    key = jax.random.key(seed)
    k1, k2, k3 = jax.random.split(key, 3)
    table = jax.random.normal(k1, (VOCAB, EMB_DIM), dtype=jnp.float32) * 0.02
    indices = jax.random.randint(k2, (TOTAL_TOKENS,), 0, VOCAB, dtype=jnp.int64 if jax.config.jax_enable_x64 else jnp.int32)
    batch_sizes = jax.random.randint(k3, (MAX_LEN,), 0, 4096, dtype=jnp.int32)
    return {"indices": indices, "batch_sizes": batch_sizes, "table": table}


def reference(indices, batch_sizes, table):
    # Embedding.forward with PackedSequence (data=indices, batch_sizes=batch_sizes).
    # No feature_dict / pos_embedding configured, so forward reduces to a pure
    # embedding gather on the packed token ids: emb = word_embedding(input).
    emb = jnp.take(table, indices, axis=0)
    # PackedSequence(emb, batch_sizes) -> return the packed data tensor.
    return emb

if __name__ == "__main__":
    import jax
    _d = setup_inputs()
    print(jax.jit(kernel)(*tuple(_d.values())))

</pallas_src>

<mosaic_0001>
#map = affine_map<(d0, d1) -> (0, 0, 0)>
#map1 = affine_map<(d0, d1) -> (0, 0)>
module attributes {stable_mosaic.version = 14 : i64} {
  func.func @k(%arg0: i32, %arg1: i32, %arg2: memref<32x100x128xi32, #tpu.memory_space<hbm>>, %arg3: memref<1000000x64xf32, #tpu.memory_space<hbm>>, %arg4: memref<1600x256x64xf32, #tpu.memory_space<hbm>>, %arg5: memref<100x128xi32, #tpu.memory_space<vmem>>, %arg6: memref<256x64xf32, #tpu.memory_space<vmem>>, %arg7: memref<256x64xf32, #tpu.memory_space<vmem>>, %arg8: memref<!tpu.dma_semaphore, #tpu.memory_space<semaphore_mem>>, %arg9: memref<!tpu.dma_semaphore, #tpu.memory_space<semaphore_mem>>, %arg10: memref<!tpu.dma_semaphore, #tpu.memory_space<semaphore_mem>>, %arg11: memref<!tpu.dma_semaphore, #tpu.memory_space<semaphore_mem>>) attributes {dimension_semantics = [#tpu.dimension_semantics<core_parallel>, #tpu.dimension_semantics<subcore_parallel>], iteration_bounds = array<i64: 2, 16>, scalar_prefetch = 0 : i64, scratch_operands = 7 : i64, tpu.core_type = #tpu.core_type<sc_vector_subcore>, window_params = [{transform_indices = #map}, {transform_indices = #map1}, {transform_indices = #map}]} {
    %mul3A = arith.constant 2 : i32
    %mul3A_0 = arith.muli %arg1, %mul3A : i32
    %add3A = arith.addi %mul3A_0, %arg0 : i32
    "tpu.region"() ({
      %run_scoped3A = tpu.sem_alloc : memref<!tpu.dma_semaphore, #tpu.memory_space<semaphore_mem>>
      %dma_start3A_132 = arith.constant 0 : i32
      %dma_start3A_133 = arith.constant 0 : i32
      %dma_start3A_134 = tpu.memref_slice %arg2[%add3A, %dma_start3A_132, %dma_start3A_133] : memref<32x100x128xi32, #tpu.memory_space<hbm>> -> memref<1x100x128xi32, #tpu.memory_space<hbm>>
      %dma_start3A_135 = tpu.memref_squeeze %dma_start3A_134 : memref<1x100x128xi32, #tpu.memory_space<hbm>> -> memref<100x128xi32, #tpu.memory_space<hbm>>
      %dma_start3A_136 = arith.constant 0 : i32
      %dma_start3A_137 = arith.constant 0 : i32
      %dma_start3A_138 = tpu.memref_slice %arg2[%add3A, %dma_start3A_136, %dma_start3A_137] : memref<32x100x128xi32, #tpu.memory_space<hbm>> -> memref<1x100x128xi32, #tpu.memory_space<hbm>>
      %dma_start3A_139 = tpu.memref_squeeze %dma_start3A_138 : memref<1x100x128xi32, #tpu.memory_space<hbm>> -> memref<100x128xi32, #tpu.memory_space<hbm>>
      tpu.enqueue_dma source(%dma_start3A_139 : memref<100x128xi32, #tpu.memory_space<hbm>>) target(%arg5 : memref<100x128xi32, #tpu.memory_space<vmem>>) target_semaphore(%run_scoped3A : memref<!tpu.dma_semaphore, #tpu.memory_space<semaphore_mem>>)
      %dma_wait3A_140 = arith.constant 0 : i32
      %dma_wait3A_141 = arith.constant 0 : i32
      %dma_wait3A_142 = tpu.memref_slice %arg2[%add3A, %dma_wait3A_140, %dma_wait3A_141] : memref<32x100x128xi32, #tpu.memory_space<hbm>> -> memref<1x100x128xi32, #tpu.memory_space<hbm>>
      %dma_wait3A_143 = tpu.memref_squeeze %dma_wait3A_142 : memref<1x100x128xi32, #tpu.memory_space<hbm>> -> memref<100x128xi32, #tpu.memory_space<hbm>>
      %dma_wait3A_144 = arith.constant 0 : i32
      %dma_wait3A_145 = arith.constant 0 : i32
      %dma_wait3A_146 = tpu.memref_slice %arg2[%add3A, %dma_wait3A_144, %dma_wait3A_145] : memref<32x100x128xi32, #tpu.memory_space<hbm>> -> memref<1x100x128xi32, #tpu.memory_space<hbm>>
      %dma_wait3A_147 = tpu.memref_squeeze %dma_wait3A_146 : memref<1x100x128xi32, #tpu.memory_space<hbm>> -> memref<100x128xi32, #tpu.memory_space<hbm>>
      tpu.wait_dma2 semaphore(%run_scoped3A : memref<!tpu.dma_semaphore, #tpu.memory_space<semaphore_mem>>) src(%dma_wait3A_147 : memref<100x128xi32, #tpu.memory_space<hbm>>) dst(%arg5 : memref<100x128xi32, #tpu.memory_space<vmem>>)
      tpu.yield
    }) : () -> ()
    %dma_start3A = arith.constant 0 : i32
    %dma_start3A_1 = arith.constant 0 : i32
    %dma_start3A_2 = arith.constant 0 : i32
    %dma_start3A_3 = tpu.memref_slice %arg6[%dma_start3A_1, %dma_start3A_2] : memref<256x64xf32, #tpu.memory_space<vmem>> -> memref<128x64xf32, #tpu.memory_space<vmem>>
    %dma_start3A_4 = arith.constant 0 : i32
    %dma_start3A_5 = tpu.memref_slice %arg5[%dma_start3A, %dma_start3A_4] : memref<100x128xi32, #tpu.memory_space<vmem>> -> memref<1x128xi32, #tpu.memory_space<vmem>>
    %dma_start3A_6 = tpu.memref_squeeze %dma_start3A_5 : memref<1x128xi32, #tpu.memory_space<vmem>> -> memref<128xi32, #tpu.memory_space<vmem>>
    %dma_start3A_7 = arith.constant 0 : i32
    %dma_start3A_8 = arith.constant 0 : i32
    %dma_start3A_9 = tpu.memref_slice %arg3[%dma_start3A_7, %dma_start3A_8] : memref<1000000x64xf32, #tpu.memory_space<hbm>> -> memref<1000000x64xf32, #tpu.memory_space<hbm>>
    tpu.enqueue_indirect_dma source(%dma_start3A_9 : memref<1000000x64xf32, #tpu.memory_space<hbm>>) target(%dma_start3A_3 : memref<128x64xf32, #tpu.memory_space<vmem>>) offsets(%dma_start3A_6 : memref<128xi32, #tpu.memory_space<vmem>>) semaphore(%arg8 : memref<!tpu.dma_semaphore, #tpu.memory_space<semaphore_mem>>)
    %dma_start3A_10 = arith.constant 1 : i32
    %dma_start3A_11 = arith.constant 128 : i32
    %dma_start3A_12 = arith.constant 0 : i32
    %dma_start3A_13 = tpu.memref_slice %arg6[%dma_start3A_11, %dma_start3A_12] : memref<256x64xf32, #tpu.memory_space<vmem>> -> memref<128x64xf32, #tpu.memory_space<vmem>>
    %dma_start3A_14 = arith.constant 0 : i32
    %dma_start3A_15 = tpu.memref_slice %arg5[%dma_start3A_10, %dma_start3A_14] : memref<100x128xi32, #tpu.memory_space<vmem>> -> memref<1x128xi32, #tpu.memory_space<vmem>>
    %dma_start3A_16 = tpu.memref_squeeze %dma_start3A_15 : memref<1x128xi32, #tpu.memory_space<vmem>> -> memref<128xi32, #tpu.memory_space<vmem>>
    %dma_start3A_17 = arith.constant 0 : i32
    %dma_start3A_18 = arith.constant 0 : i32
    %dma_start3A_19 = tpu.memref_slice %arg3[%dma_start3A_17, %dma_start3A_18] : memref<1000000x64xf32, #tpu.memory_space<hbm>> -> memref<1000000x64xf32, #tpu.memory_space<hbm>>
    tpu.enqueue_indirect_dma source(%dma_start3A_19 : memref<1000000x64xf32, #tpu.memory_space<hbm>>) target(%dma_start3A_13 : memref<128x64xf32, #tpu.memory_space<vmem>>) offsets(%dma_start3A_16 : memref<128xi32, #tpu.memory_space<vmem>>) semaphore(%arg8 : memref<!tpu.dma_semaphore, #tpu.memory_space<semaphore_mem>>)
    %dma_wait3A = arith.constant 0 : i32
    %dma_wait3A_20 = arith.constant 0 : i32
    %dma_wait3A_21 = arith.constant 0 : i32
    %dma_wait3A_22 = tpu.memref_slice %arg6[%dma_wait3A_20, %dma_wait3A_21] : memref<256x64xf32, #tpu.memory_space<vmem>> -> memref<128x64xf32, #tpu.memory_space<vmem>>
    %dma_wait3A_23 = arith.constant 0 : i32
    %dma_wait3A_24 = tpu.memref_slice %arg5[%dma_wait3A, %dma_wait3A_23] : memref<100x128xi32, #tpu.memory_space<vmem>> -> memref<1x128xi32, #tpu.memory_space<vmem>>
    %dma_wait3A_25 = tpu.memref_squeeze %dma_wait3A_24 : memref<1x128xi32, #tpu.memory_space<vmem>> -> memref<128xi32, #tpu.memory_space<vmem>>
    %dma_wait3A_26 = arith.constant 0 : i32
    %dma_wait3A_27 = arith.constant 0 : i32
    %dma_wait3A_28 = tpu.memref_slice %arg3[%dma_wait3A_26, %dma_wait3A_27] : memref<1000000x64xf32, #tpu.memory_space<hbm>> -> memref<1000000x64xf32, #tpu.memory_space<hbm>>
    tpu.wait_indirect_dma semaphore(%arg8 : memref<!tpu.dma_semaphore, #tpu.memory_space<semaphore_mem>>) src(%dma_wait3A_28 : memref<1000000x64xf32, #tpu.memory_space<hbm>>) dst(%dma_wait3A_22 : memref<128x64xf32, #tpu.memory_space<vmem>>)
    %dma_wait3A_29 = arith.constant 1 : i32
    %dma_wait3A_30 = arith.constant 128 : i32
    %dma_wait3A_31 = arith.constant 0 : i32
    %dma_wait3A_32 = tpu.memref_slice %arg6[%dma_wait3A_30, %dma_wait3A_31] : memref<256x64xf32, #tpu.memory_space<vmem>> -> memref<128x64xf32, #tpu.memory_space<vmem>>
    %dma_wait3A_33 = arith.constant 0 : i32
    %dma_wait3A_34 = tpu.memref_slice %arg5[%dma_wait3A_29, %dma_wait3A_33] : memref<100x128xi32, #tpu.memory_space<vmem>> -> memref<1x128xi32, #tpu.memory_space<vmem>>
    %dma_wait3A_35 = tpu.memref_squeeze %dma_wait3A_34 : memref<1x128xi32, #tpu.memory_space<vmem>> -> memref<128xi32, #tpu.memory_space<vmem>>
    %dma_wait3A_36 = arith.constant 0 : i32
    %dma_wait3A_37 = arith.constant 0 : i32
    %dma_wait3A_38 = tpu.memref_slice %arg3[%dma_wait3A_36, %dma_wait3A_37] : memref<1000000x64xf32, #tpu.memory_space<hbm>> -> memref<1000000x64xf32, #tpu.memory_space<hbm>>
    tpu.wait_indirect_dma semaphore(%arg8 : memref<!tpu.dma_semaphore, #tpu.memory_space<semaphore_mem>>) src(%dma_wait3A_38 : memref<1000000x64xf32, #tpu.memory_space<hbm>>) dst(%dma_wait3A_32 : memref<128x64xf32, #tpu.memory_space<vmem>>)
    %mul3A_39 = arith.constant 50 : i32
    %mul3A_40 = arith.muli %add3A, %mul3A_39 : i32
    %add3A_41 = arith.constant 0 : i32
    %add3A_42 = arith.addi %mul3A_40, %add3A_41 : i32
    %dma_start3A_43 = arith.constant 0 : i32
    %dma_start3A_44 = arith.constant 0 : i32
    %dma_start3A_45 = tpu.memref_slice %arg4[%add3A_42, %dma_start3A_43, %dma_start3A_44] : memref<1600x256x64xf32, #tpu.memory_space<hbm>> -> memref<1x256x64xf32, #tpu.memory_space<hbm>>
    %dma_start3A_46 = tpu.memref_squeeze %dma_start3A_45 : memref<1x256x64xf32, #tpu.memory_space<hbm>> -> memref<256x64xf32, #tpu.memory_space<hbm>>
    %dma_start3A_47 = arith.constant 0 : i32
    %dma_start3A_48 = arith.constant 0 : i32
    %dma_start3A_49 = tpu.memref_slice %arg4[%add3A_42, %dma_start3A_47, %dma_start3A_48] : memref<1600x256x64xf32, #tpu.memory_space<hbm>> -> memref<1x256x64xf32, #tpu.memory_space<hbm>>
    %dma_start3A_50 = tpu.memref_squeeze %dma_start3A_49 : memref<1x256x64xf32, #tpu.memory_space<hbm>> -> memref<256x64xf32, #tpu.memory_space<hbm>>
    tpu.enqueue_dma source(%arg6 : memref<256x64xf32, #tpu.memory_space<vmem>>) target(%dma_start3A_50 : memref<256x64xf32, #tpu.memory_space<hbm>>) target_semaphore(%arg10 : memref<!tpu.dma_semaphore, #tpu.memory_space<semaphore_mem>>)
    %dma_start3A_51 = arith.constant 2 : i32
    %dma_start3A_52 = arith.constant 0 : i32
    %dma_start3A_53 = arith.constant 0 : i32
    %dma_start3A_54 = tpu.memref_slice %arg7[%dma_start3A_52, %dma_start3A_53] : memref<256x64xf32, #tpu.memory_space<vmem>> -> memref<128x64xf32, #tpu.memory_space<vmem>>
    %dma_start3A_55 = arith.constant 0 : i32
    %dma_start3A_56 = tpu.memref_slice %arg5[%dma_start3A_51, %dma_start3A_55] : memref<100x128xi32, #tpu.memory_space<vmem>> -> memref<1x128xi32, #tpu.memory_space<vmem>>
    %dma_start3A_57 = tpu.memref_squeeze %dma_start3A_56 : memref<1x128xi32, #tpu.memory_space<vmem>> -> memref<128xi32, #tpu.memory_space<vmem>>
    %dma_start3A_58 = arith.constant 0 : i32
    %dma_start3A_59 = arith.constant 0 : i32
    %dma_start3A_60 = tpu.memref_slice %arg3[%dma_start3A_58, %dma_start3A_59] : memref<1000000x64xf32, #tpu.memory_space<hbm>> -> memref<1000000x64xf32, #tpu.memory_space<hbm>>
    tpu.enqueue_indirect_dma source(%dma_start3A_60 : memref<1000000x64xf32, #tpu.memory_space<hbm>>) target(%dma_start3A_54 : memref<128x64xf32, #tpu.memory_space<vmem>>) offsets(%dma_start3A_57 : memref<128xi32, #tpu.memory_space<vmem>>) semaphore(%arg9 : memref<!tpu.dma_semaphore, #tpu.memory_space<semaphore_mem>>)
    %dma_start3A_61 = arith.constant 3 : i32
    %dma_start3A_62 = arith.constant 128 : i32
    %dma_start3A_63 = arith.constant 0 : i32
    %dma_start3A_64 = tpu.memref_slice %arg7[%dma_start3A_62, %dma_start3A_63] : memref<256x64xf32, #tpu.memory_space<vmem>> -> memref<128x64xf32, #tpu.memory_space<vmem>>
    %dma_start3A_65 = arith.constant 0 : i32
    %dma_start3A_66 = tpu.memref_slice %arg5[%dma_start3A_61, %dma_start3A_65] : memref<100x128xi32, #tpu.memory_space<vmem>> -> memref<1x128xi32, #tpu.memory_space<vmem>>
    %dma_start3A_67 = tpu.memref_squeeze %dma_start3A_66 : memref<1x128xi32, #tpu.memory_space<vmem>> -> memref<128xi32, #tpu.memory_space<vmem>>
    %dma_start3A_68 = arith.constant 0 : i32
    %dma_start3A_69 = arith.constant 0 : i32
    %dma_start3A_70 = tpu.memref_slice %arg3[%dma_start3A_68, %dma_start3A_69] : memref<1000000x64xf32, #tpu.memory_space<hbm>> -> memref<1000000x64xf32, #tpu.memory_space<hbm>>
    tpu.enqueue_indirect_dma source(%dma_start3A_70 : memref<1000000x64xf32, #tpu.memory_space<hbm>>) target(%dma_start3A_64 : memref<128x64xf32, #tpu.memory_space<vmem>>) offsets(%dma_start3A_67 : memref<128xi32, #tpu.memory_space<vmem>>) semaphore(%arg9 : memref<!tpu.dma_semaphore, #tpu.memory_space<semaphore_mem>>)
    %scan3A = arith.constant 0 : i32
    %scan3A_71 = arith.constant 0 : i32
    %scan3A_72 = arith.constant 24 : i32
    %scan3A_73 = arith.addi %scan3A_71, %scan3A_72 : i32
    %scan3A_74 = arith.constant 1 : i32
    scf.for %scan3A_132 = %scan3A_71 to %scan3A_73 step %scan3A_74  : i32 {
      %mul3A_133 = arith.constant 2 : i32
      %mul3A_134 = arith.muli %mul3A_133, %scan3A_132 : i32
      %add3A_135 = arith.constant 1 : i32
      %add3A_136 = arith.addi %add3A_135, %mul3A_134 : i32
      %mul3A_137 = arith.constant 2 : i32
      %mul3A_138 = arith.muli %add3A_136, %mul3A_137 : i32
      %add3A_139 = arith.constant 0 : i32
      %add3A_140 = arith.addi %mul3A_138, %add3A_139 : i32
      %dma_wait3A_141 = arith.constant 0 : i32
      %dma_wait3A_142 = arith.constant 0 : i32
      %dma_wait3A_143 = tpu.memref_slice %arg7[%dma_wait3A_141, %dma_wait3A_142] : memref<256x64xf32, #tpu.memory_space<vmem>> -> memref<128x64xf32, #tpu.memory_space<vmem>>
      %dma_wait3A_144 = arith.constant 0 : i32
      %dma_wait3A_145 = tpu.memref_slice %arg5[%add3A_140, %dma_wait3A_144] : memref<100x128xi32, #tpu.memory_space<vmem>> -> memref<1x128xi32, #tpu.memory_space<vmem>>
      %dma_wait3A_146 = tpu.memref_squeeze %dma_wait3A_145 : memref<1x128xi32, #tpu.memory_space<vmem>> -> memref<128xi32, #tpu.memory_space<vmem>>
      %dma_wait3A_147 = arith.constant 0 : i32
      %dma_wait3A_148 = arith.constant 0 : i32
      %dma_wait3A_149 = tpu.memref_slice %arg3[%dma_wait3A_147, %dma_wait3A_148] : memref<1000000x64xf32, #tpu.memory_space<hbm>> -> memref<1000000x64xf32, #tpu.memory_space<hbm>>
      tpu.wait_indirect_dma semaphore(%arg9 : memref<!tpu.dma_semaphore, #tpu.memory_space<semaphore_mem>>) src(%dma_wait3A_149 : memref<1000000x64xf32, #tpu.memory_space<hbm>>) dst(%dma_wait3A_143 : memref<128x64xf32, #tpu.memory_space<vmem>>)
      %mul3A_150 = arith.constant 2 : i32
      %mul3A_151 = arith.muli %add3A_136, %mul3A_150 : i32
      %add3A_152 = arith.constant 1 : i32
      %add3A_153 = arith.addi %mul3A_151, %add3A_152 : i32
      %dma_wait3A_154 = arith.constant 128 : i32
      %dma_wait3A_155 = arith.constant 0 : i32
      %dma_wait3A_156 = tpu.memref_slice %arg7[%dma_wait3A_154, %dma_wait3A_155] : memref<256x64xf32, #tpu.memory_space<vmem>> -> memref<128x64xf32, #tpu.memory_space<vmem>>
      %dma_wait3A_157 = arith.constant 0 : i32
      %dma_wait3A_158 = tpu.memref_slice %arg5[%add3A_153, %dma_wait3A_157] : memref<100x128xi32, #tpu.memory_space<vmem>> -> memref<1x128xi32, #tpu.memory_space<vmem>>
      %dma_wait3A_159 = tpu.memref_squeeze %dma_wait3A_158 : memref<1x128xi32, #tpu.memory_space<vmem>> -> memref<128xi32, #tpu.memory_space<vmem>>
      %dma_wait3A_160 = arith.constant 0 : i32
      %dma_wait3A_161 = arith.constant 0 : i32
      %dma_wait3A_162 = tpu.memref_slice %arg3[%dma_wait3A_160, %dma_wait3A_161] : memref<1000000x64xf32, #tpu.memory_space<hbm>> -> memref<1000000x64xf32, #tpu.memory_space<hbm>>
      tpu.wait_indirect_dma semaphore(%arg9 : memref<!tpu.dma_semaphore, #tpu.memory_space<semaphore_mem>>) src(%dma_wait3A_162 : memref<1000000x64xf32, #tpu.memory_space<hbm>>) dst(%dma_wait3A_156 : memref<128x64xf32, #tpu.memory_space<vmem>>)
      %mul3A_163 = arith.constant 50 : i32
      %mul3A_164 = arith.muli %add3A, %mul3A_163 : i32
      %add3A_165 = arith.addi %mul3A_164, %add3A_136 : i32
      %dma_start3A_166 = arith.constant 0 : i32
      %dma_start3A_167 = arith.constant 0 : i32
      %dma_start3A_168 = tpu.memref_slice %arg4[%add3A_165, %dma_start3A_166, %dma_start3A_167] : memref<1600x256x64xf32, #tpu.memory_space<hbm>> -> memref<1x256x64xf32, #tpu.memory_space<hbm>>
      %dma_start3A_169 = tpu.memref_squeeze %dma_start3A_168 : memref<1x256x64xf32, #tpu.memory_space<hbm>> -> memref<256x64xf32, #tpu.memory_space<hbm>>
      %dma_start3A_170 = arith.constant 0 : i32
      %dma_start3A_171 = arith.constant 0 : i32
      %dma_start3A_172 = tpu.memref_slice %arg4[%add3A_165, %dma_start3A_170, %dma_start3A_171] : memref<1600x256x64xf32, #tpu.memory_space<hbm>> -> memref<1x256x64xf32, #tpu.memory_space<hbm>>
      %dma_start3A_173 = tpu.memref_squeeze %dma_start3A_172 : memref<1x256x64xf32, #tpu.memory_space<hbm>> -> memref<256x64xf32, #tpu.memory_space<hbm>>
      tpu.enqueue_dma source(%arg7 : memref<256x64xf32, #tpu.memory_space<vmem>>) target(%dma_start3A_173 : memref<256x64xf32, #tpu.memory_space<hbm>>) target_semaphore(%arg11 : memref<!tpu.dma_semaphore, #tpu.memory_space<semaphore_mem>>)
      %sub3A = arith.constant 1 : i32
      %sub3A_174 = arith.subi %add3A_136, %sub3A : i32
      %mul3A_175 = arith.constant 50 : i32
      %mul3A_176 = arith.muli %add3A, %mul3A_175 : i32
      %add3A_177 = arith.addi %mul3A_176, %sub3A_174 : i32
      %dma_wait3A_178 = arith.constant 0 : i32
      %dma_wait3A_179 = arith.constant 0 : i32
      %dma_wait3A_180 = tpu.memref_slice %arg4[%add3A_177, %dma_wait3A_178, %dma_wait3A_179] : memref<1600x256x64xf32, #tpu.memory_space<hbm>> -> memref<1x256x64xf32, #tpu.memory_space<hbm>>
      %dma_wait3A_181 = tpu.memref_squeeze %dma_wait3A_180 : memref<1x256x64xf32, #tpu.memory_space<hbm>> -> memref<256x64xf32, #tpu.memory_space<hbm>>
      %dma_wait3A_182 = arith.constant 0 : i32
      %dma_wait3A_183 = arith.constant 0 : i32
      %dma_wait3A_184 = tpu.memref_slice %arg4[%add3A_177, %dma_wait3A_182, %dma_wait3A_183] : memref<1600x256x64xf32, #tpu.memory_space<hbm>> -> memref<1x256x64xf32, #tpu.memory_space<hbm>>
      %dma_wait3A_185 = tpu.memref_squeeze %dma_wait3A_184 : memref<1x256x64xf32, #tpu.memory_space<hbm>> -> memref<256x64xf32, #tpu.memory_space<hbm>>
      tpu.wait_dma2 semaphore(%arg10 : memref<!tpu.dma_semaphore, #tpu.memory_space<semaphore_mem>>) src(%arg6 : memref<256x64xf32, #tpu.memory_space<vmem>>) dst(%dma_wait3A_185 : memref<256x64xf32, #tpu.memory_space<hbm>>)
      %add3A_186 = arith.constant 1 : i32
      %add3A_187 = arith.addi %add3A_136, %add3A_186 : i32
      %mul3A_188 = arith.constant 2 : i32
      %mul3A_189 = arith.muli %add3A_187, %mul3A_188 : i32
      %add3A_190 = arith.constant 0 : i32
      %add3A_191 = arith.addi %mul3A_189, %add3A_190 : i32
      %dma_start3A_192 = arith.constant 0 : i32
      %dma_start3A_193 = arith.constant 0 : i32
      %dma_start3A_194 = tpu.memref_slice %arg6[%dma_start3A_192, %dma_start3A_193] : memref<256x64xf32, #tpu.memory_space<vmem>> -> memref<128x64xf32, #tpu.memory_space<vmem>>
      %dma_start3A_195 = arith.constant 0 : i32
      %dma_start3A_196 = tpu.memref_slice %arg5[%add3A_191, %dma_start3A_195] : memref<100x128xi32, #tpu.memory_space<vmem>> -> memref<1x128xi32, #tpu.memory_space<vmem>>
      %dma_start3A_197 = tpu.memref_squeeze %dma_start3A_196 : memref<1x128xi32, #tpu.memory_space<vmem>> -> memref<128xi32, #tpu.memory_space<vmem>>
      %dma_start3A_198 = arith.constant 0 : i32
      %dma_start3A_199 = arith.constant 0 : i32
      %dma_start3A_200 = tpu.memref_slice %arg3[%dma_start3A_198, %dma_start3A_199] : memref<1000000x64xf32, #tpu.memory_space<hbm>> -> memref<1000000x64xf32, #tpu.memory_space<hbm>>
      tpu.enqueue_indirect_dma source(%dma_start3A_200 : memref<1000000x64xf32, #tpu.memory_space<hbm>>) target(%dma_start3A_194 : memref<128x64xf32, #tpu.memory_space<vmem>>) offsets(%dma_start3A_197 : memref<128xi32, #tpu.memory_space<vmem>>) semaphore(%arg8 : memref<!tpu.dma_semaphore, #tpu.memory_space<semaphore_mem>>)
      %mul3A_201 = arith.constant 2 : i32
      %mul3A_202 = arith.muli %add3A_187, %mul3A_201 : i32
      %add3A_203 = arith.constant 1 : i32
      %add3A_204 = arith.addi %mul3A_202, %add3A_203 : i32
      %dma_start3A_205 = arith.constant 128 : i32
      %dma_start3A_206 = arith.constant 0 : i32
      %dma_start3A_207 = tpu.memref_slice %arg6[%dma_start3A_205, %dma_start3A_206] : memref<256x64xf32, #tpu.memory_space<vmem>> -> memref<128x64xf32, #tpu.memory_space<vmem>>
      %dma_start3A_208 = arith.constant 0 : i32
      %dma_start3A_209 = tpu.memref_slice %arg5[%add3A_204, %dma_start3A_208] : memref<100x128xi32, #tpu.memory_space<vmem>> -> memref<1x128xi32, #tpu.memory_space<vmem>>
      %dma_start3A_210 = tpu.memref_squeeze %dma_start3A_209 : memref<1x128xi32, #tpu.memory_space<vmem>> -> memref<128xi32, #tpu.memory_space<vmem>>
      %dma_start3A_211 = arith.constant 0 : i32
      %dma_start3A_212 = arith.constant 0 : i32
      %dma_start3A_213 = tpu.memref_slice %arg3[%dma_start3A_211, %dma_start3A_212] : memref<1000000x64xf32, #tpu.memory_space<hbm>> -> memref<1000000x64xf32, #tpu.memory_space<hbm>>
      tpu.enqueue_indirect_dma source(%dma_start3A_213 : memref<1000000x64xf32, #tpu.memory_space<hbm>>) target(%dma_start3A_207 : memref<128x64xf32, #tpu.memory_space<vmem>>) offsets(%dma_start3A_210 : memref<128xi32, #tpu.memory_space<vmem>>) semaphore(%arg8 : memref<!tpu.dma_semaphore, #tpu.memory_space<semaphore_mem>>)
      %add3A_214 = arith.constant 1 : i32
      %add3A_215 = arith.addi %add3A_136, %add3A_214 : i32
      %mul3A_216 = arith.constant 2 : i32
      %mul3A_217 = arith.muli %add3A_215, %mul3A_216 : i32
      %add3A_218 = arith.constant 0 : i32
      %add3A_219 = arith.addi %mul3A_217, %add3A_218 : i32
      %dma_wait3A_220 = arith.constant 0 : i32
      %dma_wait3A_221 = arith.constant 0 : i32
      %dma_wait3A_222 = tpu.memref_slice %arg6[%dma_wait3A_220, %dma_wait3A_221] : memref<256x64xf32, #tpu.memory_space<vmem>> -> memref<128x64xf32, #tpu.memory_space<vmem>>
      %dma_wait3A_223 = arith.constant 0 : i32
      %dma_wait3A_224 = tpu.memref_slice %arg5[%add3A_219, %dma_wait3A_223] : memref<100x128xi32, #tpu.memory_space<vmem>> -> memref<1x128xi32, #tpu.memory_space<vmem>>
      %dma_wait3A_225 = tpu.memref_squeeze %dma_wait3A_224 : memref<1x128xi32, #tpu.memory_space<vmem>> -> memref<128xi32, #tpu.memory_space<vmem>>
      %dma_wait3A_226 = arith.constant 0 : i32
      %dma_wait3A_227 = arith.constant 0 : i32
      %dma_wait3A_228 = tpu.memref_slice %arg3[%dma_wait3A_226, %dma_wait3A_227] : memref<1000000x64xf32, #tpu.memory_space<hbm>> -> memref<1000000x64xf32, #tpu.memory_space<hbm>>
      tpu.wait_indirect_dma semaphore(%arg8 : memref<!tpu.dma_semaphore, #tpu.memory_space<semaphore_mem>>) src(%dma_wait3A_228 : memref<1000000x64xf32, #tpu.memory_space<hbm>>) dst(%dma_wait3A_222 : memref<128x64xf32, #tpu.memory_space<vmem>>)
      %mul3A_229 = arith.constant 2 : i32
      %mul3A_230 = arith.muli %add3A_215, %mul3A_229 : i32
      %add3A_231 = arith.constant 1 : i32
      %add3A_232 = arith.addi %mul3A_230, %add3A_231 : i32
      %dma_wait3A_233 = arith.constant 128 : i32
      %dma_wait3A_234 = arith.constant 0 : i32
      %dma_wait3A_235 = tpu.memref_slice %arg6[%dma_wait3A_233, %dma_wait3A_234] : memref<256x64xf32, #tpu.memory_space<vmem>> -> memref<128x64xf32, #tpu.memory_space<vmem>>
      %dma_wait3A_236 = arith.constant 0 : i32
      %dma_wait3A_237 = tpu.memref_slice %arg5[%add3A_232, %dma_wait3A_236] : memref<100x128xi32, #tpu.memory_space<vmem>> -> memref<1x128xi32, #tpu.memory_space<vmem>>
      %dma_wait3A_238 = tpu.memref_squeeze %dma_wait3A_237 : memref<1x128xi32, #tpu.memory_space<vmem>> -> memref<128xi32, #tpu.memory_space<vmem>>
      %dma_wait3A_239 = arith.constant 0 : i32
      %dma_wait3A_240 = arith.constant 0 : i32
      %dma_wait3A_241 = tpu.memref_slice %arg3[%dma_wait3A_239, %dma_wait3A_240] : memref<1000000x64xf32, #tpu.memory_space<hbm>> -> memref<1000000x64xf32, #tpu.memory_space<hbm>>
      tpu.wait_indirect_dma semaphore(%arg8 : memref<!tpu.dma_semaphore, #tpu.memory_space<semaphore_mem>>) src(%dma_wait3A_241 : memref<1000000x64xf32, #tpu.memory_space<hbm>>) dst(%dma_wait3A_235 : memref<128x64xf32, #tpu.memory_space<vmem>>)
      %add3A_242 = arith.constant 1 : i32
      %add3A_243 = arith.addi %add3A_136, %add3A_242 : i32
      %mul3A_244 = arith.constant 50 : i32
      %mul3A_245 = arith.muli %add3A, %mul3A_244 : i32
      %add3A_246 = arith.addi %mul3A_245, %add3A_243 : i32
      %dma_start3A_247 = arith.constant 0 : i32
      %dma_start3A_248 = arith.constant 0 : i32
      %dma_start3A_249 = tpu.memref_slice %arg4[%add3A_246, %dma_start3A_247, %dma_start3A_248] : memref<1600x256x64xf32, #tpu.memory_space<hbm>> -> memref<1x256x64xf32, #tpu.memory_space<hbm>>
      %dma_start3A_250 = tpu.memref_squeeze %dma_start3A_249 : memref<1x256x64xf32, #tpu.memory_space<hbm>> -> memref<256x64xf32, #tpu.memory_space<hbm>>
      %dma_start3A_251 = arith.constant 0 : i32
      %dma_start3A_252 = arith.constant 0 : i32
      %dma_start3A_253 = tpu.memref_slice %arg4[%add3A_246, %dma_start3A_251, %dma_start3A_252] : memref<1600x256x64xf32, #tpu.memory_space<hbm>> -> memref<1x256x64xf32, #tpu.memory_space<hbm>>
      %dma_start3A_254 = tpu.memref_squeeze %dma_start3A_253 : memref<1x256x64xf32, #tpu.memory_space<hbm>> -> memref<256x64xf32, #tpu.memory_space<hbm>>
      tpu.enqueue_dma source(%arg6 : memref<256x64xf32, #tpu.memory_space<vmem>>) target(%dma_start3A_254 : memref<256x64xf32, #tpu.memory_space<hbm>>) target_semaphore(%arg10 : memref<!tpu.dma_semaphore, #tpu.memory_space<semaphore_mem>>)
      %mul3A_255 = arith.constant 50 : i32
      %mul3A_256 = arith.muli %add3A, %mul3A_255 : i32
      %add3A_257 = arith.addi %mul3A_256, %add3A_136 : i32
      %dma_wait3A_258 = arith.constant 0 : i32
      %dma_wait3A_259 = arith.constant 0 : i32
      %dma_wait3A_260 = tpu.memref_slice %arg4[%add3A_257, %dma_wait3A_258, %dma_wait3A_259] : memref<1600x256x64xf32, #tpu.memory_space<hbm>> -> memref<1x256x64xf32, #tpu.memory_space<hbm>>
      %dma_wait3A_261 = tpu.memref_squeeze %dma_wait3A_260 : memref<1x256x64xf32, #tpu.memory_space<hbm>> -> memref<256x64xf32, #tpu.memory_space<hbm>>
      %dma_wait3A_262 = arith.constant 0 : i32
      %dma_wait3A_263 = arith.constant 0 : i32
      %dma_wait3A_264 = tpu.memref_slice %arg4[%add3A_257, %dma_wait3A_262, %dma_wait3A_263] : memref<1600x256x64xf32, #tpu.memory_space<hbm>> -> memref<1x256x64xf32, #tpu.memory_space<hbm>>
      %dma_wait3A_265 = tpu.memref_squeeze %dma_wait3A_264 : memref<1x256x64xf32, #tpu.memory_space<hbm>> -> memref<256x64xf32, #tpu.memory_space<hbm>>
      tpu.wait_dma2 semaphore(%arg11 : memref<!tpu.dma_semaphore, #tpu.memory_space<semaphore_mem>>) src(%arg7 : memref<256x64xf32, #tpu.memory_space<vmem>>) dst(%dma_wait3A_265 : memref<256x64xf32, #tpu.memory_space<hbm>>)
      %add3A_266 = arith.constant 2 : i32
      %add3A_267 = arith.addi %add3A_136, %add3A_266 : i32
      %mul3A_268 = arith.constant 2 : i32
      %mul3A_269 = arith.muli %add3A_267, %mul3A_268 : i32
      %add3A_270 = arith.constant 0 : i32
      %add3A_271 = arith.addi %mul3A_269, %add3A_270 : i32
      %dma_start3A_272 = arith.constant 0 : i32
      %dma_start3A_273 = arith.constant 0 : i32
      %dma_start3A_274 = tpu.memref_slice %arg7[%dma_start3A_272, %dma_start3A_273] : memref<256x64xf32, #tpu.memory_space<vmem>> -> memref<128x64xf32, #tpu.memory_space<vmem>>
      %dma_start3A_275 = arith.constant 0 : i32
      %dma_start3A_276 = tpu.memref_slice %arg5[%add3A_271, %dma_start3A_275] : memref<100x128xi32, #tpu.memory_space<vmem>> -> memref<1x128xi32, #tpu.memory_space<vmem>>
      %dma_start3A_277 = tpu.memref_squeeze %dma_start3A_276 : memref<1x128xi32, #tpu.memory_space<vmem>> -> memref<128xi32, #tpu.memory_space<vmem>>
      %dma_start3A_278 = arith.constant 0 : i32
      %dma_start3A_279 = arith.constant 0 : i32
      %dma_start3A_280 = tpu.memref_slice %arg3[%dma_start3A_278, %dma_start3A_279] : memref<1000000x64xf32, #tpu.memory_space<hbm>> -> memref<1000000x64xf32, #tpu.memory_space<hbm>>
      tpu.enqueue_indirect_dma source(%dma_start3A_280 : memref<1000000x64xf32, #tpu.memory_space<hbm>>) target(%dma_start3A_274 : memref<128x64xf32, #tpu.memory_space<vmem>>) offsets(%dma_start3A_277 : memref<128xi32, #tpu.memory_space<vmem>>) semaphore(%arg9 : memref<!tpu.dma_semaphore, #tpu.memory_space<semaphore_mem>>)
      %mul3A_281 = arith.constant 2 : i32
      %mul3A_282 = arith.muli %add3A_267, %mul3A_281 : i32
      %add3A_283 = arith.constant 1 : i32
      %add3A_284 = arith.addi %mul3A_282, %add3A_283 : i32
      %dma_start3A_285 = arith.constant 128 : i32
      %dma_start3A_286 = arith.constant 0 : i32
      %dma_start3A_287 = tpu.memref_slice %arg7[%dma_start3A_285, %dma_start3A_286] : memref<256x64xf32, #tpu.memory_space<vmem>> -> memref<128x64xf32, #tpu.memory_space<vmem>>
      %dma_start3A_288 = arith.constant 0 : i32
      %dma_start3A_289 = tpu.memref_slice %arg5[%add3A_284, %dma_start3A_288] : memref<100x128xi32, #tpu.memory_space<vmem>> -> memref<1x128xi32, #tpu.memory_space<vmem>>
      %dma_start3A_290 = tpu.memref_squeeze %dma_start3A_289 : memref<1x128xi32, #tpu.memory_space<vmem>> -> memref<128xi32, #tpu.memory_space<vmem>>
      %dma_start3A_291 = arith.constant 0 : i32
      %dma_start3A_292 = arith.constant 0 : i32
      %dma_start3A_293 = tpu.memref_slice %arg3[%dma_start3A_291, %dma_start3A_292] : memref<1000000x64xf32, #tpu.memory_space<hbm>> -> memref<1000000x64xf32, #tpu.memory_space<hbm>>
      tpu.enqueue_indirect_dma source(%dma_start3A_293 : memref<1000000x64xf32, #tpu.memory_space<hbm>>) target(%dma_start3A_287 : memref<128x64xf32, #tpu.memory_space<vmem>>) offsets(%dma_start3A_290 : memref<128xi32, #tpu.memory_space<vmem>>) semaphore(%arg9 : memref<!tpu.dma_semaphore, #tpu.memory_space<semaphore_mem>>)
    }
    %scan3A_75 = arith.constant 24 : i32
    %dma_wait3A_76 = arith.constant 98 : i32
    %dma_wait3A_77 = arith.constant 0 : i32
    %dma_wait3A_78 = arith.constant 0 : i32
    %dma_wait3A_79 = tpu.memref_slice %arg7[%dma_wait3A_77, %dma_wait3A_78] : memref<256x64xf32, #tpu.memory_space<vmem>> -> memref<128x64xf32, #tpu.memory_space<vmem>>
    %dma_wait3A_80 = arith.constant 0 : i32
    %dma_wait3A_81 = tpu.memref_slice %arg5[%dma_wait3A_76, %dma_wait3A_80] : memref<100x128xi32, #tpu.memory_space<vmem>> -> memref<1x128xi32, #tpu.memory_space<vmem>>
    %dma_wait3A_82 = tpu.memref_squeeze %dma_wait3A_81 : memref<1x128xi32, #tpu.memory_space<vmem>> -> memref<128xi32, #tpu.memory_space<vmem>>
    %dma_wait3A_83 = arith.constant 0 : i32
    %dma_wait3A_84 = arith.constant 0 : i32
    %dma_wait3A_85 = tpu.memref_slice %arg3[%dma_wait3A_83, %dma_wait3A_84] : memref<1000000x64xf32, #tpu.memory_space<hbm>> -> memref<1000000x64xf32, #tpu.memory_space<hbm>>
    tpu.wait_indirect_dma semaphore(%arg9 : memref<!tpu.dma_semaphore, #tpu.memory_space<semaphore_mem>>) src(%dma_wait3A_85 : memref<1000000x64xf32, #tpu.memory_space<hbm>>) dst(%dma_wait3A_79 : memref<128x64xf32, #tpu.memory_space<vmem>>)
    %dma_wait3A_86 = arith.constant 99 : i32
    %dma_wait3A_87 = arith.constant 128 : i32
    %dma_wait3A_88 = arith.constant 0 : i32
    %dma_wait3A_89 = tpu.memref_slice %arg7[%dma_wait3A_87, %dma_wait3A_88] : memref<256x64xf32, #tpu.memory_space<vmem>> -> memref<128x64xf32, #tpu.memory_space<vmem>>
    %dma_wait3A_90 = arith.constant 0 : i32
    %dma_wait3A_91 = tpu.memref_slice %arg5[%dma_wait3A_86, %dma_wait3A_90] : memref<100x128xi32, #tpu.memory_space<vmem>> -> memref<1x128xi32, #tpu.memory_space<vmem>>
    %dma_wait3A_92 = tpu.memref_squeeze %dma_wait3A_91 : memref<1x128xi32, #tpu.memory_space<vmem>> -> memref<128xi32, #tpu.memory_space<vmem>>
    %dma_wait3A_93 = arith.constant 0 : i32
    %dma_wait3A_94 = arith.constant 0 : i32
    %dma_wait3A_95 = tpu.memref_slice %arg3[%dma_wait3A_93, %dma_wait3A_94] : memref<1000000x64xf32, #tpu.memory_space<hbm>> -> memref<1000000x64xf32, #tpu.memory_space<hbm>>
    tpu.wait_indirect_dma semaphore(%arg9 : memref<!tpu.dma_semaphore, #tpu.memory_space<semaphore_mem>>) src(%dma_wait3A_95 : memref<1000000x64xf32, #tpu.memory_space<hbm>>) dst(%dma_wait3A_89 : memref<128x64xf32, #tpu.memory_space<vmem>>)
    %mul3A_96 = arith.constant 50 : i32
    %mul3A_97 = arith.muli %add3A, %mul3A_96 : i32
    %add3A_98 = arith.constant 49 : i32
    %add3A_99 = arith.addi %mul3A_97, %add3A_98 : i32
    %dma_start3A_100 = arith.constant 0 : i32
    %dma_start3A_101 = arith.constant 0 : i32
    %dma_start3A_102 = tpu.memref_slice %arg4[%add3A_99, %dma_start3A_100, %dma_start3A_101] : memref<1600x256x64xf32, #tpu.memory_space<hbm>> -> memref<1x256x64xf32, #tpu.memory_space<hbm>>
    %dma_start3A_103 = tpu.memref_squeeze %dma_start3A_102 : memref<1x256x64xf32, #tpu.memory_space<hbm>> -> memref<256x64xf32, #tpu.memory_space<hbm>>
    %dma_start3A_104 = arith.constant 0 : i32
    %dma_start3A_105 = arith.constant 0 : i32
    %dma_start3A_106 = tpu.memref_slice %arg4[%add3A_99, %dma_start3A_104, %dma_start3A_105] : memref<1600x256x64xf32, #tpu.memory_space<hbm>> -> memref<1x256x64xf32, #tpu.memory_space<hbm>>
    %dma_start3A_107 = tpu.memref_squeeze %dma_start3A_106 : memref<1x256x64xf32, #tpu.memory_space<hbm>> -> memref<256x64xf32, #tpu.memory_space<hbm>>
    tpu.enqueue_dma source(%arg7 : memref<256x64xf32, #tpu.memory_space<vmem>>) target(%dma_start3A_107 : memref<256x64xf32, #tpu.memory_space<hbm>>) target_semaphore(%arg11 : memref<!tpu.dma_semaphore, #tpu.memory_space<semaphore_mem>>)
    %mul3A_108 = arith.constant 50 : i32
    %mul3A_109 = arith.muli %add3A, %mul3A_108 : i32
    %add3A_110 = arith.constant 48 : i32
    %add3A_111 = arith.addi %mul3A_109, %add3A_110 : i32
    %dma_wait3A_112 = arith.constant 0 : i32
    %dma_wait3A_113 = arith.constant 0 : i32
    %dma_wait3A_114 = tpu.memref_slice %arg4[%add3A_111, %dma_wait3A_112, %dma_wait3A_113] : memref<1600x256x64xf32, #tpu.memory_space<hbm>> -> memref<1x256x64xf32, #tpu.memory_space<hbm>>
    %dma_wait3A_115 = tpu.memref_squeeze %dma_wait3A_114 : memref<1x256x64xf32, #tpu.memory_space<hbm>> -> memref<256x64xf32, #tpu.memory_space<hbm>>
    %dma_wait3A_116 = arith.constant 0 : i32
    %dma_wait3A_117 = arith.constant 0 : i32
    %dma_wait3A_118 = tpu.memref_slice %arg4[%add3A_111, %dma_wait3A_116, %dma_wait3A_117] : memref<1600x256x64xf32, #tpu.memory_space<hbm>> -> memref<1x256x64xf32, #tpu.memory_space<hbm>>
    %dma_wait3A_119 = tpu.memref_squeeze %dma_wait3A_118 : memref<1x256x64xf32, #tpu.memory_space<hbm>> -> memref<256x64xf32, #tpu.memory_space<hbm>>
    tpu.wait_dma2 semaphore(%arg10 : memref<!tpu.dma_semaphore, #tpu.memory_space<semaphore_mem>>) src(%arg6 : memref<256x64xf32, #tpu.memory_space<vmem>>) dst(%dma_wait3A_119 : memref<256x64xf32, #tpu.memory_space<hbm>>)
    %mul3A_120 = arith.constant 50 : i32
    %mul3A_121 = arith.muli %add3A, %mul3A_120 : i32
    %add3A_122 = arith.constant 49 : i32
    %add3A_123 = arith.addi %mul3A_121, %add3A_122 : i32
    %dma_wait3A_124 = arith.constant 0 : i32
    %dma_wait3A_125 = arith.constant 0 : i32
    %dma_wait3A_126 = tpu.memref_slice %arg4[%add3A_123, %dma_wait3A_124, %dma_wait3A_125] : memref<1600x256x64xf32, #tpu.memory_space<hbm>> -> memref<1x256x64xf32, #tpu.memory_space<hbm>>
    %dma_wait3A_127 = tpu.memref_squeeze %dma_wait3A_126 : memref<1x256x64xf32, #tpu.memory_space<hbm>> -> memref<256x64xf32, #tpu.memory_space<hbm>>
    %dma_wait3A_128 = arith.constant 0 : i32
    %dma_wait3A_129 = arith.constant 0 : i32
    %dma_wait3A_130 = tpu.memref_slice %arg4[%add3A_123, %dma_wait3A_128, %dma_wait3A_129] : memref<1600x256x64xf32, #tpu.memory_space<hbm>> -> memref<1x256x64xf32, #tpu.memory_space<hbm>>
    %dma_wait3A_131 = tpu.memref_squeeze %dma_wait3A_130 : memref<1x256x64xf32, #tpu.memory_space<hbm>> -> memref<256x64xf32, #tpu.memory_space<hbm>>
    tpu.wait_dma2 semaphore(%arg11 : memref<!tpu.dma_semaphore, #tpu.memory_space<semaphore_mem>>) src(%arg7 : memref<256x64xf32, #tpu.memory_space<vmem>>) dst(%dma_wait3A_131 : memref<256x64xf32, #tpu.memory_space<hbm>>)
    return
  }
}

#map = affine_map<(d0, d1) -> (0, 0, 0)>
#map1 = affine_map<(d0, d1) -> (0, 0)>
module attributes {stable_mosaic.version = 14 : i64} {
  func.func @k(%arg0: i32, %arg1: i32, %arg2: memref<32x100x128xi32, #tpu.memory_space<hbm>>, %arg3: memref<1000000x64xf32, #tpu.memory_space<hbm>>, %arg4: memref<1600x256x64xf32, #tpu.memory_space<hbm>>, %arg5: memref<100x128xi32, #tpu.memory_space<vmem>>, %arg6: memref<256x64xf32, #tpu.memory_space<vmem>>, %arg7: memref<256x64xf32, #tpu.memory_space<vmem>>, %arg8: memref<!tpu.dma_semaphore, #tpu.memory_space<semaphore_mem>>, %arg9: memref<!tpu.dma_semaphore, #tpu.memory_space<semaphore_mem>>, %arg10: memref<!tpu.dma_semaphore, #tpu.memory_space<semaphore_mem>>, %arg11: memref<!tpu.dma_semaphore, #tpu.memory_space<semaphore_mem>>) attributes {dimension_semantics = [#tpu.dimension_semantics<core_parallel>, #tpu.dimension_semantics<subcore_parallel>], iteration_bounds = array<i64: 2, 16>, scalar_prefetch = 0 : i64, scratch_operands = 7 : i64, tpu.core_type = #tpu.core_type<sc_vector_subcore>, window_params = [{transform_indices = #map}, {transform_indices = #map1}, {transform_indices = #map}]} {
    %mul3A = arith.constant 2 : i32
    %mul3A_0 = arith.muli %arg1, %mul3A : i32
    %add3A = arith.addi %mul3A_0, %arg0 : i32
    "tpu.region"() ({
      %run_scoped3A = tpu.sem_alloc : memref<!tpu.dma_semaphore, #tpu.memory_space<semaphore_mem>>
      %dma_start3A_132 = arith.constant 0 : i32
      %dma_start3A_133 = arith.constant 0 : i32
      %dma_start3A_134 = tpu.memref_slice %arg2[%add3A, %dma_start3A_132, %dma_start3A_133] : memref<32x100x128xi32, #tpu.memory_space<hbm>> -> memref<1x100x128xi32, #tpu.memory_space<hbm>>
      %dma_start3A_135 = tpu.memref_squeeze %dma_start3A_134 : memref<1x100x128xi32, #tpu.memory_space<hbm>> -> memref<100x128xi32, #tpu.memory_space<hbm>>
      %dma_start3A_136 = arith.constant 0 : i32
      %dma_start3A_137 = arith.constant 0 : i32
      %dma_start3A_138 = tpu.memref_slice %arg2[%add3A, %dma_start3A_136, %dma_start3A_137] : memref<32x100x128xi32, #tpu.memory_space<hbm>> -> memref<1x100x128xi32, #tpu.memory_space<hbm>>
      %dma_start3A_139 = tpu.memref_squeeze %dma_start3A_138 : memref<1x100x128xi32, #tpu.memory_space<hbm>> -> memref<100x128xi32, #tpu.memory_space<hbm>>
      tpu.enqueue_dma source(%dma_start3A_139 : memref<100x128xi32, #tpu.memory_space<hbm>>) target(%arg5 : memref<100x128xi32, #tpu.memory_space<vmem>>) target_semaphore(%run_scoped3A : memref<!tpu.dma_semaphore, #tpu.memory_space<semaphore_mem>>)
      %dma_wait3A_140 = arith.constant 0 : i32
      %dma_wait3A_141 = arith.constant 0 : i32
      %dma_wait3A_142 = tpu.memref_slice %arg2[%add3A, %dma_wait3A_140, %dma_wait3A_141] : memref<32x100x128xi32, #tpu.memory_space<hbm>> -> memref<1x100x128xi32, #tpu.memory_space<hbm>>
      %dma_wait3A_143 = tpu.memref_squeeze %dma_wait3A_142 : memref<1x100x128xi32, #tpu.memory_space<hbm>> -> memref<100x128xi32, #tpu.memory_space<hbm>>
      %dma_wait3A_144 = arith.constant 0 : i32
      %dma_wait3A_145 = arith.constant 0 : i32
      %dma_wait3A_146 = tpu.memref_slice %arg2[%add3A, %dma_wait3A_144, %dma_wait3A_145] : memref<32x100x128xi32, #tpu.memory_space<hbm>> -> memref<1x100x128xi32, #tpu.memory_space<hbm>>
      %dma_wait3A_147 = tpu.memref_squeeze %dma_wait3A_146 : memref<1x100x128xi32, #tpu.memory_space<hbm>> -> memref<100x128xi32, #tpu.memory_space<hbm>>
      tpu.wait_dma2 semaphore(%run_scoped3A : memref<!tpu.dma_semaphore, #tpu.memory_space<semaphore_mem>>) src(%dma_wait3A_147 : memref<100x128xi32, #tpu.memory_space<hbm>>) dst(%arg5 : memref<100x128xi32, #tpu.memory_space<vmem>>)
      tpu.yield
    }) : () -> ()
    %dma_start3A = arith.constant 0 : i32
    %dma_start3A_1 = arith.constant 0 : i32
    %dma_start3A_2 = arith.constant 0 : i32
    %dma_start3A_3 = tpu.memref_slice %arg6[%dma_start3A_1, %dma_start3A_2] : memref<256x64xf32, #tpu.memory_space<vmem>> -> memref<128x64xf32, #tpu.memory_space<vmem>>
    %dma_start3A_4 = arith.constant 0 : i32
    %dma_start3A_5 = tpu.memref_slice %arg5[%dma_start3A, %dma_start3A_4] : memref<100x128xi32, #tpu.memory_space<vmem>> -> memref<1x128xi32, #tpu.memory_space<vmem>>
    %dma_start3A_6 = tpu.memref_squeeze %dma_start3A_5 : memref<1x128xi32, #tpu.memory_space<vmem>> -> memref<128xi32, #tpu.memory_space<vmem>>
    %dma_start3A_7 = arith.constant 0 : i32
    %dma_start3A_8 = arith.constant 0 : i32
    %dma_start3A_9 = tpu.memref_slice %arg3[%dma_start3A_7, %dma_start3A_8] : memref<1000000x64xf32, #tpu.memory_space<hbm>> -> memref<1000000x64xf32, #tpu.memory_space<hbm>>
    tpu.enqueue_indirect_dma source(%dma_start3A_9 : memref<1000000x64xf32, #tpu.memory_space<hbm>>) target(%dma_start3A_3 : memref<128x64xf32, #tpu.memory_space<vmem>>) offsets(%dma_start3A_6 : memref<128xi32, #tpu.memory_space<vmem>>) semaphore(%arg8 : memref<!tpu.dma_semaphore, #tpu.memory_space<semaphore_mem>>)
    %dma_start3A_10 = arith.constant 1 : i32
    %dma_start3A_11 = arith.constant 128 : i32
    %dma_start3A_12 = arith.constant 0 : i32
    %dma_start3A_13 = tpu.memref_slice %arg6[%dma_start3A_11, %dma_start3A_12] : memref<256x64xf32, #tpu.memory_space<vmem>> -> memref<128x64xf32, #tpu.memory_space<vmem>>
    %dma_start3A_14 = arith.constant 0 : i32
    %dma_start3A_15 = tpu.memref_slice %arg5[%dma_start3A_10, %dma_start3A_14] : memref<100x128xi32, #tpu.memory_space<vmem>> -> memref<1x128xi32, #tpu.memory_space<vmem>>
    %dma_start3A_16 = tpu.memref_squeeze %dma_start3A_15 : memref<1x128xi32, #tpu.memory_space<vmem>> -> memref<128xi32, #tpu.memory_space<vmem>>
    %dma_start3A_17 = arith.constant 0 : i32
    %dma_start3A_18 = arith.constant 0 : i32
    %dma_start3A_19 = tpu.memref_slice %arg3[%dma_start3A_17, %dma_start3A_18] : memref<1000000x64xf32, #tpu.memory_space<hbm>> -> memref<1000000x64xf32, #tpu.memory_space<hbm>>
    tpu.enqueue_indirect_dma source(%dma_start3A_19 : memref<1000000x64xf32, #tpu.memory_space<hbm>>) target(%dma_start3A_13 : memref<128x64xf32, #tpu.memory_space<vmem>>) offsets(%dma_start3A_16 : memref<128xi32, #tpu.memory_space<vmem>>) semaphore(%arg8 : memref<!tpu.dma_semaphore, #tpu.memory_space<semaphore_mem>>)
    %dma_wait3A = arith.constant 0 : i32
    %dma_wait3A_20 = arith.constant 0 : i32
    %dma_wait3A_21 = arith.constant 0 : i32
    %dma_wait3A_22 = tpu.memref_slice %arg6[%dma_wait3A_20, %dma_wait3A_21] : memref<256x64xf32, #tpu.memory_space<vmem>> -> memref<128x64xf32, #tpu.memory_space<vmem>>
    %dma_wait3A_23 = arith.constant 0 : i32
    %dma_wait3A_24 = tpu.memref_slice %arg5[%dma_wait3A, %dma_wait3A_23] : memref<100x128xi32, #tpu.memory_space<vmem>> -> memref<1x128xi32, #tpu.memory_space<vmem>>
    %dma_wait3A_25 = tpu.memref_squeeze %dma_wait3A_24 : memref<1x128xi32, #tpu.memory_space<vmem>> -> memref<128xi32, #tpu.memory_space<vmem>>
    %dma_wait3A_26 = arith.constant 0 : i32
    %dma_wait3A_27 = arith.constant 0 : i32
    %dma_wait3A_28 = tpu.memref_slice %arg3[%dma_wait3A_26, %dma_wait3A_27] : memref<1000000x64xf32, #tpu.memory_space<hbm>> -> memref<1000000x64xf32, #tpu.memory_space<hbm>>
    tpu.wait_indirect_dma semaphore(%arg8 : memref<!tpu.dma_semaphore, #tpu.memory_space<semaphore_mem>>) src(%dma_wait3A_28 : memref<1000000x64xf32, #tpu.memory_space<hbm>>) dst(%dma_wait3A_22 : memref<128x64xf32, #tpu.memory_space<vmem>>)
    %dma_wait3A_29 = arith.constant 1 : i32
    %dma_wait3A_30 = arith.constant 128 : i32
    %dma_wait3A_31 = arith.constant 0 : i32
    %dma_wait3A_32 = tpu.memref_slice %arg6[%dma_wait3A_30, %dma_wait3A_31] : memref<256x64xf32, #tpu.memory_space<vmem>> -> memref<128x64xf32, #tpu.memory_space<vmem>>
    %dma_wait3A_33 = arith.constant 0 : i32
    %dma_wait3A_34 = tpu.memref_slice %arg5[%dma_wait3A_29, %dma_wait3A_33] : memref<100x128xi32, #tpu.memory_space<vmem>> -> memref<1x128xi32, #tpu.memory_space<vmem>>
    %dma_wait3A_35 = tpu.memref_squeeze %dma_wait3A_34 : memref<1x128xi32, #tpu.memory_space<vmem>> -> memref<128xi32, #tpu.memory_space<vmem>>
    %dma_wait3A_36 = arith.constant 0 : i32
    %dma_wait3A_37 = arith.constant 0 : i32
    %dma_wait3A_38 = tpu.memref_slice %arg3[%dma_wait3A_36, %dma_wait3A_37] : memref<1000000x64xf32, #tpu.memory_space<hbm>> -> memref<1000000x64xf32, #tpu.memory_space<hbm>>
    tpu.wait_indirect_dma semaphore(%arg8 : memref<!tpu.dma_semaphore, #tpu.memory_space<semaphore_mem>>) src(%dma_wait3A_38 : memref<1000000x64xf32, #tpu.memory_space<hbm>>) dst(%dma_wait3A_32 : memref<128x64xf32, #tpu.memory_space<vmem>>)
    %mul3A_39 = arith.constant 50 : i32
    %mul3A_40 = arith.muli %add3A, %mul3A_39 : i32
    %add3A_41 = arith.constant 0 : i32
    %add3A_42 = arith.addi %mul3A_40, %add3A_41 : i32
    %dma_start3A_43 = arith.constant 0 : i32
    %dma_start3A_44 = arith.constant 0 : i32
    %dma_start3A_45 = tpu.memref_slice %arg4[%add3A_42, %dma_start3A_43, %dma_start3A_44] : memref<1600x256x64xf32, #tpu.memory_space<hbm>> -> memref<1x256x64xf32, #tpu.memory_space<hbm>>
    %dma_start3A_46 = tpu.memref_squeeze %dma_start3A_45 : memref<1x256x64xf32, #tpu.memory_space<hbm>> -> memref<256x64xf32, #tpu.memory_space<hbm>>
    %dma_start3A_47 = arith.constant 0 : i32
    %dma_start3A_48 = arith.constant 0 : i32
    %dma_start3A_49 = tpu.memref_slice %arg4[%add3A_42, %dma_start3A_47, %dma_start3A_48] : memref<1600x256x64xf32, #tpu.memory_space<hbm>> -> memref<1x256x64xf32, #tpu.memory_space<hbm>>
    %dma_start3A_50 = tpu.memref_squeeze %dma_start3A_49 : memref<1x256x64xf32, #tpu.memory_space<hbm>> -> memref<256x64xf32, #tpu.memory_space<hbm>>
    tpu.enqueue_dma source(%arg6 : memref<256x64xf32, #tpu.memory_space<vmem>>) target(%dma_start3A_50 : memref<256x64xf32, #tpu.memory_space<hbm>>) target_semaphore(%arg10 : memref<!tpu.dma_semaphore, #tpu.memory_space<semaphore_mem>>)
    %dma_start3A_51 = arith.constant 2 : i32
    %dma_start3A_52 = arith.constant 0 : i32
    %dma_start3A_53 = arith.constant 0 : i32
    %dma_start3A_54 = tpu.memref_slice %arg7[%dma_start3A_52, %dma_start3A_53] : memref<256x64xf32, #tpu.memory_space<vmem>> -> memref<128x64xf32, #tpu.memory_space<vmem>>
    %dma_start3A_55 = arith.constant 0 : i32
    %dma_start3A_56 = tpu.memref_slice %arg5[%dma_start3A_51, %dma_start3A_55] : memref<100x128xi32, #tpu.memory_space<vmem>> -> memref<1x128xi32, #tpu.memory_space<vmem>>
    %dma_start3A_57 = tpu.memref_squeeze %dma_start3A_56 : memref<1x128xi32, #tpu.memory_space<vmem>> -> memref<128xi32, #tpu.memory_space<vmem>>
    %dma_start3A_58 = arith.constant 0 : i32
    %dma_start3A_59 = arith.constant 0 : i32
    %dma_start3A_60 = tpu.memref_slice %arg3[%dma_start3A_58, %dma_start3A_59] : memref<1000000x64xf32, #tpu.memory_space<hbm>> -> memref<1000000x64xf32, #tpu.memory_space<hbm>>
    tpu.enqueue_indirect_dma source(%dma_start3A_60 : memref<1000000x64xf32, #tpu.memory_space<hbm>>) target(%dma_start3A_54 : memref<128x64xf32, #tpu.memory_space<vmem>>) offsets(%dma_start3A_57 : memref<128xi32, #tpu.memory_space<vmem>>) semaphore(%arg9 : memref<!tpu.dma_semaphore, #tpu.memory_space<semaphore_mem>>)
    %dma_start3A_61 = arith.constant 3 : i32
    %dma_start3A_62 = arith.constant 128 : i32
    %dma_start3A_63 = arith.constant 0 : i32
    %dma_start3A_64 = tpu.memref_slice %arg7[%dma_start3A_62, %dma_start3A_63] : memref<256x64xf32, #tpu.memory_space<vmem>> -> memref<128x64xf32, #tpu.memory_space<vmem>>
    %dma_start3A_65 = arith.constant 0 : i32
    %dma_start3A_66 = tpu.memref_slice %arg5[%dma_start3A_61, %dma_start3A_65] : memref<100x128xi32, #tpu.memory_space<vmem>> -> memref<1x128xi32, #tpu.memory_space<vmem>>
    %dma_start3A_67 = tpu.memref_squeeze %dma_start3A_66 : memref<1x128xi32, #tpu.memory_space<vmem>> -> memref<128xi32, #tpu.memory_space<vmem>>
    %dma_start3A_68 = arith.constant 0 : i32
    %dma_start3A_69 = arith.constant 0 : i32
    %dma_start3A_70 = tpu.memref_slice %arg3[%dma_start3A_68, %dma_start3A_69] : memref<1000000x64xf32, #tpu.memory_space<hbm>> -> memref<1000000x64xf32, #tpu.memory_space<hbm>>
    tpu.enqueue_indirect_dma source(%dma_start3A_70 : memref<1000000x64xf32, #tpu.memory_space<hbm>>) target(%dma_start3A_64 : memref<128x64xf32, #tpu.memory_space<vmem>>) offsets(%dma_start3A_67 : memref<128xi32, #tpu.memory_space<vmem>>) semaphore(%arg9 : memref<!tpu.dma_semaphore, #tpu.memory_space<semaphore_mem>>)
    %scan3A = arith.constant 0 : i32
    %scan3A_71 = arith.constant 0 : i32
    %scan3A_72 = arith.constant 24 : i32
    %scan3A_73 = arith.addi %scan3A_71, %scan3A_72 : i32
    %scan3A_74 = arith.constant 1 : i32
    scf.for %scan3A_132 = %scan3A_71 to %scan3A_73 step %scan3A_74  : i32 {
      %mul3A_133 = arith.constant 2 : i32
      %mul3A_134 = arith.muli %mul3A_133, %scan3A_132 : i32
      %add3A_135 = arith.constant 1 : i32
      %add3A_136 = arith.addi %add3A_135, %mul3A_134 : i32
      %mul3A_137 = arith.constant 2 : i32
      %mul3A_138 = arith.muli %add3A_136, %mul3A_137 : i32
      %add3A_139 = arith.constant 0 : i32
      %add3A_140 = arith.addi %mul3A_138, %add3A_139 : i32
      %dma_wait3A_141 = arith.constant 0 : i32
      %dma_wait3A_142 = arith.constant 0 : i32
      %dma_wait3A_143 = tpu.memref_slice %arg7[%dma_wait3A_141, %dma_wait3A_142] : memref<256x64xf32, #tpu.memory_space<vmem>> -> memref<128x64xf32, #tpu.memory_space<vmem>>
      %dma_wait3A_144 = arith.constant 0 : i32
      %dma_wait3A_145 = tpu.memref_slice %arg5[%add3A_140, %dma_wait3A_144] : memref<100x128xi32, #tpu.memory_space<vmem>> -> memref<1x128xi32, #tpu.memory_space<vmem>>
      %dma_wait3A_146 = tpu.memref_squeeze %dma_wait3A_145 : memref<1x128xi32, #tpu.memory_space<vmem>> -> memref<128xi32, #tpu.memory_space<vmem>>
      %dma_wait3A_147 = arith.constant 0 : i32
      %dma_wait3A_148 = arith.constant 0 : i32
      %dma_wait3A_149 = tpu.memref_slice %arg3[%dma_wait3A_147, %dma_wait3A_148] : memref<1000000x64xf32, #tpu.memory_space<hbm>> -> memref<1000000x64xf32, #tpu.memory_space<hbm>>
      tpu.wait_indirect_dma semaphore(%arg9 : memref<!tpu.dma_semaphore, #tpu.memory_space<semaphore_mem>>) src(%dma_wait3A_149 : memref<1000000x64xf32, #tpu.memory_space<hbm>>) dst(%dma_wait3A_143 : memref<128x64xf32, #tpu.memory_space<vmem>>)
      %mul3A_150 = arith.constant 2 : i32
      %mul3A_151 = arith.muli %add3A_136, %mul3A_150 : i32
      %add3A_152 = arith.constant 1 : i32
      %add3A_153 = arith.addi %mul3A_151, %add3A_152 : i32
      %dma_wait3A_154 = arith.constant 128 : i32
      %dma_wait3A_155 = arith.constant 0 : i32
      %dma_wait3A_156 = tpu.memref_slice %arg7[%dma_wait3A_154, %dma_wait3A_155] : memref<256x64xf32, #tpu.memory_space<vmem>> -> memref<128x64xf32, #tpu.memory_space<vmem>>
      %dma_wait3A_157 = arith.constant 0 : i32
      %dma_wait3A_158 = tpu.memref_slice %arg5[%add3A_153, %dma_wait3A_157] : memref<100x128xi32, #tpu.memory_space<vmem>> -> memref<1x128xi32, #tpu.memory_space<vmem>>
      %dma_wait3A_159 = tpu.memref_squeeze %dma_wait3A_158 : memref<1x128xi32, #tpu.memory_space<vmem>> -> memref<128xi32, #tpu.memory_space<vmem>>
      %dma_wait3A_160 = arith.constant 0 : i32
      %dma_wait3A_161 = arith.constant 0 : i32
      %dma_wait3A_162 = tpu.memref_slice %arg3[%dma_wait3A_160, %dma_wait3A_161] : memref<1000000x64xf32, #tpu.memory_space<hbm>> -> memref<1000000x64xf32, #tpu.memory_space<hbm>>
      tpu.wait_indirect_dma semaphore(%arg9 : memref<!tpu.dma_semaphore, #tpu.memory_space<semaphore_mem>>) src(%dma_wait3A_162 : memref<1000000x64xf32, #tpu.memory_space<hbm>>) dst(%dma_wait3A_156 : memref<128x64xf32, #tpu.memory_space<vmem>>)
      %mul3A_163 = arith.constant 50 : i32
      %mul3A_164 = arith.muli %add3A, %mul3A_163 : i32
      %add3A_165 = arith.addi %mul3A_164, %add3A_136 : i32
      %dma_start3A_166 = arith.constant 0 : i32
      %dma_start3A_167 = arith.constant 0 : i32
      %dma_start3A_168 = tpu.memref_slice %arg4[%add3A_165, %dma_start3A_166, %dma_start3A_167] : memref<1600x256x64xf32, #tpu.memory_space<hbm>> -> memref<1x256x64xf32, #tpu.memory_space<hbm>>
      %dma_start3A_169 = tpu.memref_squeeze %dma_start3A_168 : memref<1x256x64xf32, #tpu.memory_space<hbm>> -> memref<256x64xf32, #tpu.memory_space<hbm>>
      %dma_start3A_170 = arith.constant 0 : i32
      %dma_start3A_171 = arith.constant 0 : i32
      %dma_start3A_172 = tpu.memref_slice %arg4[%add3A_165, %dma_start3A_170, %dma_start3A_171] : memref<1600x256x64xf32, #tpu.memory_space<hbm>> -> memref<1x256x64xf32, #tpu.memory_space<hbm>>
      %dma_start3A_173 = tpu.memref_squeeze %dma_start3A_172 : memref<1x256x64xf32, #tpu.memory_space<hbm>> -> memref<256x64xf32, #tpu.memory_space<hbm>>
      tpu.enqueue_dma source(%arg7 : memref<256x64xf32, #tpu.memory_space<vmem>>) target(%dma_start3A_173 : memref<256x64xf32, #tpu.memory_space<hbm>>) target_semaphore(%arg11 : memref<!tpu.dma_semaphore, #tpu.memory_space<semaphore_mem>>)
      %sub3A = arith.constant 1 : i32
      %sub3A_174 = arith.subi %add3A_136, %sub3A : i32
      %mul3A_175 = arith.constant 50 : i32
      %mul3A_176 = arith.muli %add3A, %mul3A_175 : i32
      %add3A_177 = arith.addi %mul3A_176, %sub3A_174 : i32
      %dma_wait3A_178 = arith.constant 0 : i32
      %dma_wait3A_179 = arith.constant 0 : i32
      %dma_wait3A_180 = tpu.memref_slice %arg4[%add3A_177, %dma_wait3A_178, %dma_wait3A_179] : memref<1600x256x64xf32, #tpu.memory_space<hbm>> -> memref<1x256x64xf32, #tpu.memory_space<hbm>>
      %dma_wait3A_181 = tpu.memref_squeeze %dma_wait3A_180 : memref<1x256x64xf32, #tpu.memory_space<hbm>> -> memref<256x64xf32, #tpu.memory_space<hbm>>
      %dma_wait3A_182 = arith.constant 0 : i32
      %dma_wait3A_183 = arith.constant 0 : i32
      %dma_wait3A_184 = tpu.memref_slice %arg4[%add3A_177, %dma_wait3A_182, %dma_wait3A_183] : memref<1600x256x64xf32, #tpu.memory_space<hbm>> -> memref<1x256x64xf32, #tpu.memory_space<hbm>>
      %dma_wait3A_185 = tpu.memref_squeeze %dma_wait3A_184 : memref<1x256x64xf32, #tpu.memory_space<hbm>> -> memref<256x64xf32, #tpu.memory_space<hbm>>
      tpu.wait_dma2 semaphore(%arg10 : memref<!tpu.dma_semaphore, #tpu.memory_space<semaphore_mem>>) src(%arg6 : memref<256x64xf32, #tpu.memory_space<vmem>>) dst(%dma_wait3A_185 : memref<256x64xf32, #tpu.memory_space<hbm>>)
      %add3A_186 = arith.constant 1 : i32
      %add3A_187 = arith.addi %add3A_136, %add3A_186 : i32
      %mul3A_188 = arith.constant 2 : i32
      %mul3A_189 = arith.muli %add3A_187, %mul3A_188 : i32
      %add3A_190 = arith.constant 0 : i32
      %add3A_191 = arith.addi %mul3A_189, %add3A_190 : i32
      %dma_start3A_192 = arith.constant 0 : i32
      %dma_start3A_193 = arith.constant 0 : i32
      %dma_start3A_194 = tpu.memref_slice %arg6[%dma_start3A_192, %dma_start3A_193] : memref<256x64xf32, #tpu.memory_space<vmem>> -> memref<128x64xf32, #tpu.memory_space<vmem>>
      %dma_start3A_195 = arith.constant 0 : i32
      %dma_start3A_196 = tpu.memref_slice %arg5[%add3A_191, %dma_start3A_195] : memref<100x128xi32, #tpu.memory_space<vmem>> -> memref<1x128xi32, #tpu.memory_space<vmem>>
      %dma_start3A_197 = tpu.memref_squeeze %dma_start3A_196 : memref<1x128xi32, #tpu.memory_space<vmem>> -> memref<128xi32, #tpu.memory_space<vmem>>
      %dma_start3A_198 = arith.constant 0 : i32
      %dma_start3A_199 = arith.constant 0 : i32
      %dma_start3A_200 = tpu.memref_slice %arg3[%dma_start3A_198, %dma_start3A_199] : memref<1000000x64xf32, #tpu.memory_space<hbm>> -> memref<1000000x64xf32, #tpu.memory_space<hbm>>
      tpu.enqueue_indirect_dma source(%dma_start3A_200 : memref<1000000x64xf32, #tpu.memory_space<hbm>>) target(%dma_start3A_194 : memref<128x64xf32, #tpu.memory_space<vmem>>) offsets(%dma_start3A_197 : memref<128xi32, #tpu.memory_space<vmem>>) semaphore(%arg8 : memref<!tpu.dma_semaphore, #tpu.memory_space<semaphore_mem>>)
      %mul3A_201 = arith.constant 2 : i32
      %mul3A_202 = arith.muli %add3A_187, %mul3A_201 : i32
      %add3A_203 = arith.constant 1 : i32
      %add3A_204 = arith.addi %mul3A_202, %add3A_203 : i32
      %dma_start3A_205 = arith.constant 128 : i32
      %dma_start3A_206 = arith.constant 0 : i32
      %dma_start3A_207 = tpu.memref_slice %arg6[%dma_start3A_205, %dma_start3A_206] : memref<256x64xf32, #tpu.memory_space<vmem>> -> memref<128x64xf32, #tpu.memory_space<vmem>>
      %dma_start3A_208 = arith.constant 0 : i32
      %dma_start3A_209 = tpu.memref_slice %arg5[%add3A_204, %dma_start3A_208] : memref<100x128xi32, #tpu.memory_space<vmem>> -> memref<1x128xi32, #tpu.memory_space<vmem>>
      %dma_start3A_210 = tpu.memref_squeeze %dma_start3A_209 : memref<1x128xi32, #tpu.memory_space<vmem>> -> memref<128xi32, #tpu.memory_space<vmem>>
      %dma_start3A_211 = arith.constant 0 : i32
      %dma_start3A_212 = arith.constant 0 : i32
      %dma_start3A_213 = tpu.memref_slice %arg3[%dma_start3A_211, %dma_start3A_212] : memref<1000000x64xf32, #tpu.memory_space<hbm>> -> memref<1000000x64xf32, #tpu.memory_space<hbm>>
      tpu.enqueue_indirect_dma source(%dma_start3A_213 : memref<1000000x64xf32, #tpu.memory_space<hbm>>) target(%dma_start3A_207 : memref<128x64xf32, #tpu.memory_space<vmem>>) offsets(%dma_start3A_210 : memref<128xi32, #tpu.memory_space<vmem>>) semaphore(%arg8 : memref<!tpu.dma_semaphore, #tpu.memory_space<semaphore_mem>>)
      %add3A_214 = arith.constant 1 : i32
      %add3A_215 = arith.addi %add3A_136, %add3A_214 : i32
      %mul3A_216 = arith.constant 2 : i32
      %mul3A_217 = arith.muli %add3A_215, %mul3A_216 : i32
      %add3A_218 = arith.constant 0 : i32
      %add3A_219 = arith.addi %mul3A_217, %add3A_218 : i32
      %dma_wait3A_220 = arith.constant 0 : i32
      %dma_wait3A_221 = arith.constant 0 : i32
      %dma_wait3A_222 = tpu.memref_slice %arg6[%dma_wait3A_220, %dma_wait3A_221] : memref<256x64xf32, #tpu.memory_space<vmem>> -> memref<128x64xf32, #tpu.memory_space<vmem>>
      %dma_wait3A_223 = arith.constant 0 : i32
      %dma_wait3A_224 = tpu.memref_slice %arg5[%add3A_219, %dma_wait3A_223] : memref<100x128xi32, #tpu.memory_space<vmem>> -> memref<1x128xi32, #tpu.memory_space<vmem>>
      %dma_wait3A_225 = tpu.memref_squeeze %dma_wait3A_224 : memref<1x128xi32, #tpu.memory_space<vmem>> -> memref<128xi32, #tpu.memory_space<vmem>>
      %dma_wait3A_226 = arith.constant 0 : i32
      %dma_wait3A_227 = arith.constant 0 : i32
      %dma_wait3A_228 = tpu.memref_slice %arg3[%dma_wait3A_226, %dma_wait3A_227] : memref<1000000x64xf32, #tpu.memory_space<hbm>> -> memref<1000000x64xf32, #tpu.memory_space<hbm>>
      tpu.wait_indirect_dma semaphore(%arg8 : memref<!tpu.dma_semaphore, #tpu.memory_space<semaphore_mem>>) src(%dma_wait3A_228 : memref<1000000x64xf32, #tpu.memory_space<hbm>>) dst(%dma_wait3A_222 : memref<128x64xf32, #tpu.memory_space<vmem>>)
      %mul3A_229 = arith.constant 2 : i32
      %mul3A_230 = arith.muli %add3A_215, %mul3A_229 : i32
      %add3A_231 = arith.constant 1 : i32
      %add3A_232 = arith.addi %mul3A_230, %add3A_231 : i32
      %dma_wait3A_233 = arith.constant 128 : i32
      %dma_wait3A_234 = arith.constant 0 : i32
      %dma_wait3A_235 = tpu.memref_slice %arg6[%dma_wait3A_233, %dma_wait3A_234] : memref<256x64xf32, #tpu.memory_space<vmem>> -> memref<128x64xf32, #tpu.memory_space<vmem>>
      %dma_wait3A_236 = arith.constant 0 : i32
      %dma_wait3A_237 = tpu.memref_slice %arg5[%add3A_232, %dma_wait3A_236] : memref<100x128xi32, #tpu.memory_space<vmem>> -> memref<1x128xi32, #tpu.memory_space<vmem>>
      %dma_wait3A_238 = tpu.memref_squeeze %dma_wait3A_237 : memref<1x128xi32, #tpu.memory_space<vmem>> -> memref<128xi32, #tpu.memory_space<vmem>>
      %dma_wait3A_239 = arith.constant 0 : i32
      %dma_wait3A_240 = arith.constant 0 : i32
      %dma_wait3A_241 = tpu.memref_slice %arg3[%dma_wait3A_239, %dma_wait3A_240] : memref<1000000x64xf32, #tpu.memory_space<hbm>> -> memref<1000000x64xf32, #tpu.memory_space<hbm>>
      tpu.wait_indirect_dma semaphore(%arg8 : memref<!tpu.dma_semaphore, #tpu.memory_space<semaphore_mem>>) src(%dma_wait3A_241 : memref<1000000x64xf32, #tpu.memory_space<hbm>>) dst(%dma_wait3A_235 : memref<128x64xf32, #tpu.memory_space<vmem>>)
      %add3A_242 = arith.constant 1 : i32
      %add3A_243 = arith.addi %add3A_136, %add3A_242 : i32
      %mul3A_244 = arith.constant 50 : i32
      %mul3A_245 = arith.muli %add3A, %mul3A_244 : i32
      %add3A_246 = arith.addi %mul3A_245, %add3A_243 : i32
      %dma_start3A_247 = arith.constant 0 : i32
      %dma_start3A_248 = arith.constant 0 : i32
      %dma_start3A_249 = tpu.memref_slice %arg4[%add3A_246, %dma_start3A_247, %dma_start3A_248] : memref<1600x256x64xf32, #tpu.memory_space<hbm>> -> memref<1x256x64xf32, #tpu.memory_space<hbm>>
      %dma_start3A_250 = tpu.memref_squeeze %dma_start3A_249 : memref<1x256x64xf32, #tpu.memory_space<hbm>> -> memref<256x64xf32, #tpu.memory_space<hbm>>
      %dma_start3A_251 = arith.constant 0 : i32
      %dma_start3A_252 = arith.constant 0 : i32
      %dma_start3A_253 = tpu.memref_slice %arg4[%add3A_246, %dma_start3A_251, %dma_start3A_252] : memref<1600x256x64xf32, #tpu.memory_space<hbm>> -> memref<1x256x64xf32, #tpu.memory_space<hbm>>
      %dma_start3A_254 = tpu.memref_squeeze %dma_start3A_253 : memref<1x256x64xf32, #tpu.memory_space<hbm>> -> memref<256x64xf32, #tpu.memory_space<hbm>>
      tpu.enqueue_dma source(%arg6 : memref<256x64xf32, #tpu.memory_space<vmem>>) target(%dma_start3A_254 : memref<256x64xf32, #tpu.memory_space<hbm>>) target_semaphore(%arg10 : memref<!tpu.dma_semaphore, #tpu.memory_space<semaphore_mem>>)
      %mul3A_255 = arith.constant 50 : i32
      %mul3A_256 = arith.muli %add3A, %mul3A_255 : i32
      %add3A_257 = arith.addi %mul3A_256, %add3A_136 : i32
      %dma_wait3A_258 = arith.constant 0 : i32
      %dma_wait3A_259 = arith.constant 0 : i32
      %dma_wait3A_260 = tpu.memref_slice %arg4[%add3A_257, %dma_wait3A_258, %dma_wait3A_259] : memref<1600x256x64xf32, #tpu.memory_space<hbm>> -> memref<1x256x64xf32, #tpu.memory_space<hbm>>
      %dma_wait3A_261 = tpu.memref_squeeze %dma_wait3A_260 : memref<1x256x64xf32, #tpu.memory_space<hbm>> -> memref<256x64xf32, #tpu.memory_space<hbm>>
      %dma_wait3A_262 = arith.constant 0 : i32
      %dma_wait3A_263 = arith.constant 0 : i32
      %dma_wait3A_264 = tpu.memref_slice %arg4[%add3A_257, %dma_wait3A_262, %dma_wait3A_263] : memref<1600x256x64xf32, #tpu.memory_space<hbm>> -> memref<1x256x64xf32, #tpu.memory_space<hbm>>
      %dma_wait3A_265 = tpu.memref_squeeze %dma_wait3A_264 : memref<1x256x64xf32, #tpu.memory_space<hbm>> -> memref<256x64xf32, #tpu.memory_space<hbm>>
      tpu.wait_dma2 semaphore(%arg11 : memref<!tpu.dma_semaphore, #tpu.memory_space<semaphore_mem>>) src(%arg7 : memref<256x64xf32, #tpu.memory_space<vmem>>) dst(%dma_wait3A_265 : memref<256x64xf32, #tpu.memory_space<hbm>>)
      %add3A_266 = arith.constant 2 : i32
      %add3A_267 = arith.addi %add3A_136, %add3A_266 : i32
      %mul3A_268 = arith.constant 2 : i32
      %mul3A_269 = arith.muli %add3A_267, %mul3A_268 : i32
      %add3A_270 = arith.constant 0 : i32
      %add3A_271 = arith.addi %mul3A_269, %add3A_270 : i32
      %dma_start3A_272 = arith.constant 0 : i32
      %dma_start3A_273 = arith.constant 0 : i32
      %dma_start3A_274 = tpu.memref_slice %arg7[%dma_start3A_272, %dma_start3A_273] : memref<256x64xf32, #tpu.memory_space<vmem>> -> memref<128x64xf32, #tpu.memory_space<vmem>>
      %dma_start3A_275 = arith.constant 0 : i32
      %dma_start3A_276 = tpu.memref_slice %arg5[%add3A_271, %dma_start3A_275] : memref<100x128xi32, #tpu.memory_space<vmem>> -> memref<1x128xi32, #tpu.memory_space<vmem>>
      %dma_start3A_277 = tpu.memref_squeeze %dma_start3A_276 : memref<1x128xi32, #tpu.memory_space<vmem>> -> memref<128xi32, #tpu.memory_space<vmem>>
      %dma_start3A_278 = arith.constant 0 : i32
      %dma_start3A_279 = arith.constant 0 : i32
      %dma_start3A_280 = tpu.memref_slice %arg3[%dma_start3A_278, %dma_start3A_279] : memref<1000000x64xf32, #tpu.memory_space<hbm>> -> memref<1000000x64xf32, #tpu.memory_space<hbm>>
      tpu.enqueue_indirect_dma source(%dma_start3A_280 : memref<1000000x64xf32, #tpu.memory_space<hbm>>) target(%dma_start3A_274 : memref<128x64xf32, #tpu.memory_space<vmem>>) offsets(%dma_start3A_277 : memref<128xi32, #tpu.memory_space<vmem>>) semaphore(%arg9 : memref<!tpu.dma_semaphore, #tpu.memory_space<semaphore_mem>>)
      %mul3A_281 = arith.constant 2 : i32
      %mul3A_282 = arith.muli %add3A_267, %mul3A_281 : i32
      %add3A_283 = arith.constant 1 : i32
      %add3A_284 = arith.addi %mul3A_282, %add3A_283 : i32
      %dma_start3A_285 = arith.constant 128 : i32
      %dma_start3A_286 = arith.constant 0 : i32
      %dma_start3A_287 = tpu.memref_slice %arg7[%dma_start3A_285, %dma_start3A_286] : memref<256x64xf32, #tpu.memory_space<vmem>> -> memref<128x64xf32, #tpu.memory_space<vmem>>
      %dma_start3A_288 = arith.constant 0 : i32
      %dma_start3A_289 = tpu.memref_slice %arg5[%add3A_284, %dma_start3A_288] : memref<100x128xi32, #tpu.memory_space<vmem>> -> memref<1x128xi32, #tpu.memory_space<vmem>>
      %dma_start3A_290 = tpu.memref_squeeze %dma_start3A_289 : memref<1x128xi32, #tpu.memory_space<vmem>> -> memref<128xi32, #tpu.memory_space<vmem>>
      %dma_start3A_291 = arith.constant 0 : i32
      %dma_start3A_292 = arith.constant 0 : i32
      %dma_start3A_293 = tpu.memref_slice %arg3[%dma_start3A_291, %dma_start3A_292] : memref<1000000x64xf32, #tpu.memory_space<hbm>> -> memref<1000000x64xf32, #tpu.memory_space<hbm>>
      tpu.enqueue_indirect_dma source(%dma_start3A_293 : memref<1000000x64xf32, #tpu.memory_space<hbm>>) target(%dma_start3A_287 : memref<128x64xf32, #tpu.memory_space<vmem>>) offsets(%dma_start3A_290 : memref<128xi32, #tpu.memory_space<vmem>>) semaphore(%arg9 : memref<!tpu.dma_semaphore, #tpu.memory_space<semaphore_mem>>)
    }
    %scan3A_75 = arith.constant 24 : i32
    %dma_wait3A_76 = arith.constant 98 : i32
    %dma_wait3A_77 = arith.constant 0 : i32
    %dma_wait3A_78 = arith.constant 0 : i32
    %dma_wait3A_79 = tpu.memref_slice %arg7[%dma_wait3A_77, %dma_wait3A_78] : memref<256x64xf32, #tpu.memory_space<vmem>> -> memref<128x64xf32, #tpu.memory_space<vmem>>
    %dma_wait3A_80 = arith.constant 0 : i32
    %dma_wait3A_81 = tpu.memref_slice %arg5[%dma_wait3A_76, %dma_wait3A_80] : memref<100x128xi32, #tpu.memory_space<vmem>> -> memref<1x128xi32, #tpu.memory_space<vmem>>
    %dma_wait3A_82 = tpu.memref_squeeze %dma_wait3A_81 : memref<1x128xi32, #tpu.memory_space<vmem>> -> memref<128xi32, #tpu.memory_space<vmem>>
    %dma_wait3A_83 = arith.constant 0 : i32
    %dma_wait3A_84 = arith.constant 0 : i32
    %dma_wait3A_85 = tpu.memref_slice %arg3[%dma_wait3A_83, %dma_wait3A_84] : memref<1000000x64xf32, #tpu.memory_space<hbm>> -> memref<1000000x64xf32, #tpu.memory_space<hbm>>
    tpu.wait_indirect_dma semaphore(%arg9 : memref<!tpu.dma_semaphore, #tpu.memory_space<semaphore_mem>>) src(%dma_wait3A_85 : memref<1000000x64xf32, #tpu.memory_space<hbm>>) dst(%dma_wait3A_79 : memref<128x64xf32, #tpu.memory_space<vmem>>)
    %dma_wait3A_86 = arith.constant 99 : i32
    %dma_wait3A_87 = arith.constant 128 : i32
    %dma_wait3A_88 = arith.constant 0 : i32
    %dma_wait3A_89 = tpu.memref_slice %arg7[%dma_wait3A_87, %dma_wait3A_88] : memref<256x64xf32, #tpu.memory_space<vmem>> -> memref<128x64xf32, #tpu.memory_space<vmem>>
    %dma_wait3A_90 = arith.constant 0 : i32
    %dma_wait3A_91 = tpu.memref_slice %arg5[%dma_wait3A_86, %dma_wait3A_90] : memref<100x128xi32, #tpu.memory_space<vmem>> -> memref<1x128xi32, #tpu.memory_space<vmem>>
    %dma_wait3A_92 = tpu.memref_squeeze %dma_wait3A_91 : memref<1x128xi32, #tpu.memory_space<vmem>> -> memref<128xi32, #tpu.memory_space<vmem>>
    %dma_wait3A_93 = arith.constant 0 : i32
    %dma_wait3A_94 = arith.constant 0 : i32
    %dma_wait3A_95 = tpu.memref_slice %arg3[%dma_wait3A_93, %dma_wait3A_94] : memref<1000000x64xf32, #tpu.memory_space<hbm>> -> memref<1000000x64xf32, #tpu.memory_space<hbm>>
    tpu.wait_indirect_dma semaphore(%arg9 : memref<!tpu.dma_semaphore, #tpu.memory_space<semaphore_mem>>) src(%dma_wait3A_95 : memref<1000000x64xf32, #tpu.memory_space<hbm>>) dst(%dma_wait3A_89 : memref<128x64xf32, #tpu.memory_space<vmem>>)
    %mul3A_96 = arith.constant 50 : i32
    %mul3A_97 = arith.muli %add3A, %mul3A_96 : i32
    %add3A_98 = arith.constant 49 : i32
    %add3A_99 = arith.addi %mul3A_97, %add3A_98 : i32
    %dma_start3A_100 = arith.constant 0 : i32
    %dma_start3A_101 = arith.constant 0 : i32
    %dma_start3A_102 = tpu.memref_slice %arg4[%add3A_99, %dma_start3A_100, %dma_start3A_101] : memref<1600x256x64xf32, #tpu.memory_space<hbm>> -> memref<1x256x64xf32, #tpu.memory_space<hbm>>
    %dma_start3A_103 = tpu.memref_squeeze %dma_start3A_102 : memref<1x256x64xf32, #tpu.memory_space<hbm>> -> memref<256x64xf32, #tpu.memory_space<hbm>>
    %dma_start3A_104 = arith.constant 0 : i32
    %dma_start3A_105 = arith.constant 0 : i32
    %dma_start3A_106 = tpu.memref_slice %arg4[%add3A_99, %dma_start3A_104, %dma_start3A_105] : memref<1600x256x64xf32, #tpu.memory_space<hbm>> -> memref<1x256x64xf32, #tpu.memory_space<hbm>>
    %dma_start3A_107 = tpu.memref_squeeze %dma_start3A_106 : memref<1x256x64xf32, #tpu.memory_space<hbm>> -> memref<256x64xf32, #tpu.memory_space<hbm>>
    tpu.enqueue_dma source(%arg7 : memref<256x64xf32, #tpu.memory_space<vmem>>) target(%dma_start3A_107 : memref<256x64xf32, #tpu.memory_space<hbm>>) target_semaphore(%arg11 : memref<!tpu.dma_semaphore, #tpu.memory_space<semaphore_mem>>)
    %mul3A_108 = arith.constant 50 : i32
    %mul3A_109 = arith.muli %add3A, %mul3A_108 : i32
    %add3A_110 = arith.constant 48 : i32
    %add3A_111 = arith.addi %mul3A_109, %add3A_110 : i32
    %dma_wait3A_112 = arith.constant 0 : i32
    %dma_wait3A_113 = arith.constant 0 : i32
    %dma_wait3A_114 = tpu.memref_slice %arg4[%add3A_111, %dma_wait3A_112, %dma_wait3A_113] : memref<1600x256x64xf32, #tpu.memory_space<hbm>> -> memref<1x256x64xf32, #tpu.memory_space<hbm>>
    %dma_wait3A_115 = tpu.memref_squeeze %dma_wait3A_114 : memref<1x256x64xf32, #tpu.memory_space<hbm>> -> memref<256x64xf32, #tpu.memory_space<hbm>>
    %dma_wait3A_116 = arith.constant 0 : i32
    %dma_wait3A_117 = arith.constant 0 : i32
    %dma_wait3A_118 = tpu.memref_slice %arg4[%add3A_111, %dma_wait3A_116, %dma_wait3A_117] : memref<1600x256x64xf32, #tpu.memory_space<hbm>> -> memref<1x256x64xf32, #tpu.memory_space<hbm>>
    %dma_wait3A_119 = tpu.memref_squeeze %dma_wait3A_118 : memref<1x256x64xf32, #tpu.memory_space<hbm>> -> memref<256x64xf32, #tpu.memory_space<hbm>>
    tpu.wait_dma2 semaphore(%arg10 : memref<!tpu.dma_semaphore, #tpu.memory_space<semaphore_mem>>) src(%arg6 : memref<256x64xf32, #tpu.memory_space<vmem>>) dst(%dma_wait3A_119 : memref<256x64xf32, #tpu.memory_space<hbm>>)
    %mul3A_120 = arith.constant 50 : i32
    %mul3A_121 = arith.muli %add3A, %mul3A_120 : i32
    %add3A_122 = arith.constant 49 : i32
    %add3A_123 = arith.addi %mul3A_121, %add3A_122 : i32
    %dma_wait3A_124 = arith.constant 0 : i32
    %dma_wait3A_125 = arith.constant 0 : i32
    %dma_wait3A_126 = tpu.memref_slice %arg4[%add3A_123, %dma_wait3A_124, %dma_wait3A_125] : memref<1600x256x64xf32, #tpu.memory_space<hbm>> -> memref<1x256x64xf32, #tpu.memory_space<hbm>>
    %dma_wait3A_127 = tpu.memref_squeeze %dma_wait3A_126 : memref<1x256x64xf32, #tpu.memory_space<hbm>> -> memref<256x64xf32, #tpu.memory_space<hbm>>
    %dma_wait3A_128 = arith.constant 0 : i32
    %dma_wait3A_129 = arith.constant 0 : i32
    %dma_wait3A_130 = tpu.memref_slice %arg4[%add3A_123, %dma_wait3A_128, %dma_wait3A_129] : memref<1600x256x64xf32, #tpu.memory_space<hbm>> -> memref<1x256x64xf32, #tpu.memory_space<hbm>>
    %dma_wait3A_131 = tpu.memref_squeeze %dma_wait3A_130 : memref<1x256x64xf32, #tpu.memory_space<hbm>> -> memref<256x64xf32, #tpu.memory_space<hbm>>
    tpu.wait_dma2 semaphore(%arg11 : memref<!tpu.dma_semaphore, #tpu.memory_space<semaphore_mem>>) src(%arg7 : memref<256x64xf32, #tpu.memory_space<vmem>>) dst(%dma_wait3A_131 : memref<256x64xf32, #tpu.memory_space<hbm>>)
    return
  }
}

</mosaic_0001>

<sc_bundles>
// kernel: kernel.4.cloned.1.call-start
scs
__scs_entry_jumppad:
0x0: {  	(pc) =	sbr.rel $0x88, $3  }
0x1: {  	(tag) =	ssettag $0x0;
	lr =	simm.s32 $0x1  }
0x2: {  	[smem:$0x3F9F] =	sst lr;
	_ =	strace $0xD0000000  }
0x3: {  	_ = 	snop  }
0x4: {  	_ = 	snop  }
0x5: {  	_ = 	snop  }
0x6: {  	_ = 	snop  }
0x7: {  	_ = 	snop  }
__scs_overlays_trampoline_lowered:
0x8: {  	[smem:$0x3FAE] =	sst s0  }
0x9: {  	[smem:$0x3FAF] =	sst s1  }
0xa: {  	[smem:$0x3FB0] =	sst s2  }
0xb: {  	[smem:$0x3FB1] =	sst s3  }
0xc: {  	[smem:$0x3FB2] =	sst s4  }
0xd: {  	[smem:$0x3FB3] =	sst s5  }
0xe: {  	[smem:$0x3FB4] =	sst s6  }
0xf: {  	[smem:$0x3FB5] =	sst s7  }
0x10: {  	[smem:$0x3FB6] =	sst s8  }
0x11: {  	[smem:$0x3FB7] =	sst s9;
	s0 =	simm.s32 @!p0 $0x0  }
0x12: {  	s1 =	sld [smem:$0x3F9D];
	s0 =	simm.s32 @p0 $0x1  }
0x13: {  	[smem:$0x3FB8] =	sst s0;
	s0 =	simm.s32 @!p1 $0x0  }
0x14: {  	s2 =	sld [smem:$0x3F9C];
	s0 =	simm.s32 @p1 $0x1  }
0x15: {  	[smem:$0x3FB9] =	sst s0;
	s0 =	simm.s32 @!p2 $0x0  }
0x16: {  	s3 =	sld [smem:$0x3FDB];
	s0 =	simm.s32 @p2 $0x1  }
0x17: {  	s4 =	simm.s32 $0x1BF5;
	[smem:$0x3FBB] =	sst s0  }
0x18: {  	s0 =	sld [smem:$0x3F9E];
	_ =	swait.ge [sflag:s4], $0x0  }
0x19: {  	s7 =	sld [smem:$0x3F9F]  }
0x1a: {  	s8 =	sadd.s32 $0xFFFFE003, lr  }
0x1b: {  	s9 =	sadd.s32 $0xFFFFFEF7, lr;
	s5 =	simm.s32 $0xFFFFFFFF;
	p2 =	slt.u32 s8, $0xFFFFF086  }
0x1c: {  	p1 =	slt.u32 s9, $0xF7A;
	s5 =	simm.s32 @!p2 $0x0  }
0x1d: {  	s5 =	simm.s32 @p1 $0x1;
	p0 =	seq.s32 s7, s2  }
0x1e: {  	s7 =	smul.u32 @!p0 $0xF7A, s2;
	p2 =	seq.s32 @!p0 s5, $0x0  }
0x1f: {  	s9 =	smul.u32 $0xF7A, s1;
	s8 =	simm.s32 @!p0 $0x1BF5;
	p2 =	por !p2, p0  }
0x20: {  	[sflag:s8] =	ssyncset.s32 @!p0 $0xFFFFF086;
	s6 =	sadd.s32 @!p0 s3, s7;
	s7 =	simm.s32 @!p0 $0x108  }
0x21: {  	s3 =	sadd.s32 s3, s9;
	s6 =	sadd.s32 @!p0 $0x88, s6;
	s7 =	simm.s32 @p2 $0x1082  }
0x22: {  	[simem:s7], [sflag:s8] =	dma.local @!p0 [hbm:s6], $0xF7A  }
0x23: {  	s9 =	sor.u32 $0xD0000000, s2;
	s6 =	simm.s32 $0x108;
	_ =	swait.ge @!p0 [sflag:s8], $0x0  }
0x24: {  	s3 =	sadd.s32 $0x88, s3;
	s6 =	simm.s32 @!p1 $0x1082;
	[sflag:s4] =	ssyncset.s32 $0xFFFFF086  }
0x25: {  	[simem:s6], [sflag:s4] =	dma.local [hbm:s3], $0xF7A  }
0x26: {  	[smem:$0x3F9F] =	sst s1;
	(tag) =	ssettag s2;
	_ =	strace s9  }
0x27: {  	s1 =	sld [smem:$0x3FAF]  }
0x28: {  	s2 =	sld [smem:$0x3FB0]  }
0x29: {  	s4 =	sld [smem:$0x3FB2]  }
0x2a: {  	p0 =	seq.s32 s5, $0x0;
	s5 =	sld [smem:$0x3FB3]  }
0x2b: {  	s6 =	sld [smem:$0x3FB4]  }
0x2c: {  	s7 =	sld [smem:$0x3FB5]  }
0x2d: {  	s3 =	simm.s32 $0x108;
	s8 =	sld [smem:$0x3FB6]  }
0x2e: {  	s3 =	simm.s32 @!p0 $0x1082;
	s9 =	sld [smem:$0x3FB7]  }
0x2f: {  	lr =	sadd.s32 s0, s3;
	s0 =	sld [smem:$0x3FAE]  }
0x30: {  	s3 =	sld [smem:$0x3FB1]  }
0x31: {  	[smem:$0x3FBA] =	sst s10  }
0x32: {  	s10 =	sld [smem:$0x3FB8];
	_ =	sdelay $0x3  }
0x33: {  	p0 =	seq.s32 s10, $0x1;
	s10 =	sld [smem:$0x3FBA];
	_ =	sdelay $0x3  }
0x34: {  	[smem:$0x3FBA] =	sst s10  }
0x35: {  	s10 =	sld [smem:$0x3FB9];
	_ =	sdelay $0x3  }
0x36: {  	p1 =	seq.s32 s10, $0x1;
	s10 =	sld [smem:$0x3FBA];
	_ =	sdelay $0x3  }
0x37: {  	[smem:$0x3FBA] =	sst s10  }
0x38: {  	s10 =	sld [smem:$0x3FBB]  }
0x39: {  	_ = 	snop;
	(pc) =	sbr.ind lr, $3  }
0x3a: {  	_ = 	snop  }
0x3b: {  	_ = 	snop  }
0x3c: {  	p2 =	seq.s32 s10, $0x1;
	s10 =	sld [smem:$0x3FBA]  }
0x3d: {  	_ =	shalt  }
0x3e: {  	_ =	shalt  }
0x3f: {  	_ =	shalt  }
0x40: {  	_ =	shalt  }
0x41: {  	_ =	shalt  }
0x42: {  	_ =	shalt  }
0x43: {  	_ =	shalt  }
0x44: {  	_ =	shalt  }
0x45: {  	_ =	shalt  }
0x46: {  	_ =	shalt  }
0x47: {  	_ =	shalt  }
0x48: {  	_ =	shalt  }
0x49: {  	_ =	shalt  }
0x4a: {  	_ =	shalt  }
0x4b: {  	_ =	shalt  }
0x4c: {  	_ =	shalt  }
0x4d: {  	_ =	shalt  }
0x4e: {  	_ =	shalt  }
0x4f: {  	_ =	shalt  }
0x50: {  	_ =	shalt  }
0x51: {  	_ =	shalt  }
0x52: {  	_ =	shalt  }
0x53: {  	_ =	shalt  }
0x54: {  	_ =	shalt  }
0x55: {  	_ =	shalt  }
0x56: {  	_ =	shalt  }
0x57: {  	_ =	shalt  }
0x58: {  	_ =	shalt  }
0x59: {  	_ =	shalt  }
0x5a: {  	_ =	shalt  }
0x5b: {  	_ =	shalt  }
0x5c: {  	_ =	shalt  }
0x5d: {  	_ =	shalt  }
0x5e: {  	_ =	shalt  }
0x5f: {  	_ =	shalt  }
0x60: {  	_ =	shalt  }
0x61: {  	_ =	shalt  }
0x62: {  	_ =	shalt  }
0x63: {  	_ =	shalt  }
0x64: {  	_ =	shalt  }
0x65: {  	_ =	shalt  }
0x66: {  	_ =	shalt  }
0x67: {  	_ =	shalt  }
0x68: {  	_ =	shalt  }
0x69: {  	_ =	shalt  }
0x6a: {  	_ =	shalt  }
0x6b: {  	_ =	shalt  }
0x6c: {  	_ =	shalt  }
0x6d: {  	_ =	shalt  }
0x6e: {  	_ =	shalt  }
0x6f: {  	_ =	shalt  }
0x70: {  	_ =	shalt  }
0x71: {  	_ =	shalt  }
0x72: {  	_ =	shalt  }
0x73: {  	_ =	shalt  }
0x74: {  	_ =	shalt  }
0x75: {  	_ =	shalt  }
0x76: {  	_ =	shalt  }
0x77: {  	_ =	shalt  }
0x78: {  	_ =	shalt  }
0x79: {  	_ =	shalt  }
0x7a: {  	_ =	shalt  }
0x7b: {  	_ =	shalt  }
0x7c: {  	_ =	shalt  }
0x7d: {  	_ =	shalt  }
0x7e: {  	_ =	shalt  }
0x7f: {  	_ =	shalt  }
0x80: {  	_ =	shalt  }
0x81: {  	_ =	shalt  }
0x82: {  	_ =	shalt  }
0x83: {  	_ =	shalt  }
0x84: {  	_ =	shalt  }
0x85: {  	_ =	shalt  }
0x86: {  	_ =	shalt  }
0x87: {  	_ =	shalt  }
.Lfunc_end0:
.L_simem_size_0:
called_computation.1_lowered:
.L_overlay_start_0:
0x88: {  	s2 =	sld [smem:$0x3FD9]  }
0x89: {  	s3 =	sld [smem:$0x3FFE];
	_ =	sdelay $0x1  }
0x8a: {  	s1 =	srdreg.scid  }
0x8b: {  	s0 =	sand.u32 $0x1, s1  }
0x8c: {  	s17 =	sshll.u32 s0, $0xA;
	s2 =	sadd.s32 s3, s2  }
0x8d: {  	s2 =	sadd.s32 s2, s17  }
0x8e: {  	[smem:$0x3FC6] =	sst s2  }
0x8f: {  	_ = 	snop  }
0x90: {  	(tm) =	ssettm $0x1  }
0x91: {  	s18 =	sld [smem:$0x3FFB];
	_ =	sdelay $0x3  }
0x92: {  	_ =	strace s18  }
0x93: {  	s2 =	sld [smem:$0x3FFC];
	_ =	sdelay $0x3  }
0x94: {  	_ =	strace s2  }
0x95: {  	s2 =	sld [smem:$0x3FFD];
	_ =	sdelay $0x3  }
0x96: {  	_ =	strace s2  }
0x97: {  	_ =	strace $0x8FFFFFFF  }
0x98: {  	s19 =	sld [smem:$0x3FDB];
	_ =	sdelay $0x1  }
0x99: {  	s20 =	simm.s32 $_scs_section_size  }
0x9a: {  	s4 =	simm.s32 $_size__tile_overlayer_lowered;
	s5 =	simm.s32 $_tile_overlayer_lowered  }
0x9b: {  	s6 =	simm.s32 $0x1BFF;
	s21 =	sshll.u32 s5, $0x1;
	s3 =	sadd.s32 s20, s19  }
0x9c: {  	s22 =	simm.s32 $0x0;
	s4 =	sshll.u32 s4, $0x1;
	s5 =	sadd.s32 s21, s3  }
0x9d: {  	[timem:s22], [sflag:s6] =	dma.local [hbm:s5], s4  }
0x9e: {  	_ =	swait.ge [sflag:s6], s4  }
0x9f: {  	s4 =	ssub.s32 $0x0, s4;
	[sflag:s6] =	ssyncset.done $0x0  }
0xa0: {  	[sflag:s6] =	ssyncadd.s32 s4;
	_ =	sdelay $0x1  }
0xa1: {  	s23 =	simm.s32 $0x1B8B  }
0xa2: {  	_ =	swait.ge [sflag:s23], $0x1  }
0xa3: {  	[sflag:s23] =	ssyncset.done $0x0  }
0xa4: {  	[sflag:s23] =	ssyncadd.s32 $0xFFFFFFFF  }
0xa5: {  	s4 =	sld [smem:$0x0]  }
0xa6: {  	s5 =	sand.u32 $0xFFFFFFFE, s1  }
0xa7: {  	p0 =	sne.s32 s1, s5  }
0xa8: {  	s5 =	sshll.u32 @p0 s5, $0xE  }
0xa9: {  	s5 =	sadd.s32 @p0 $0x11B8D, s5;
	s6 =	sshll.u32 @p0 s4, $0x11  }
0xaa: {  	s5 =	sor.u32 @p0 s6, s5  }
0xab: {  	[sflag:s5] =	ssyncadd.remote.s32 @p0 $0x1;
	_ =	sdelay $0x1  }
0xac: {  	s5 =	simm.s32 @p0 $0x1B8D  }
0xad: {  	_ =	swait.eq @p0 [sflag:s5], $0x1  }
0xae: {  	[sflag:s5] =	ssyncadd.s32 @p0 $0xFFFFFFFF  }
0xaf: {  	s6 =	sshll.u32 @!p0 s1, $0xE  }
0xb0: {  	s6 =	sor.u32 @!p0 $0x4000, s6;
	s5 =	simm.s32 @!p0 $0x1B8D  }
0xb1: {  	s4 =	sshll.u32 @!p0 s4, $0x11;
	s6 =	sadd.s32 @!p0 $0x11B8D, s6;
	_ =	swait.eq @!p0 [sflag:s5], $0x1  }
0xb2: {  	s4 =	sor.u32 @!p0 s4, s6;
	[sflag:s5] =	ssyncadd.s32 @!p0 $0xFFFFFFFF  }
0xb3: {  	s25 =	simm.s32 $0x1B8E;
	s24 =	sld [smem:$0x3FFE];
	[sflag:s4] =	ssyncadd.remote.s32 @!p0 $0x1  }
0xb4: {  	s26 =	simm.s32 $execute0_lowered;
	[smem:$0x3FD2] =	sst s25  }
0xb5: {  	s5 =	sshll.u32 s26, $0x1;
	_ =	strace $0x80000049;
	[dreg:$0x1] =	wrdreg $0xFFFFFFFF  }
0xb6: {  	s28 =	simm.s32 $_size_execute0_lowered;
	s3 =	sadd.s32 s3, s5;
	[dreg:$0x0] =	wrdreg $0x0  }
0xb7: {  	s5 =	sshll.u32 s28, $0x1;
	[dreg:$0x2] =	wrdreg s3  }
0xb8: {  	[dreg:$0x3] =	wrdreg s5  }
0xb9: {  	[dreg:$0x4] =	wrdreg $0xC0  }
0xba: {  	_ =	task [dreg:s22], $0x5FFFF  }
0xbb: {  	[dreg:$0x1] =	wrdreg $0xFFFFFFFF  }
0xbc: {  	[dreg:$0x0] =	wrdreg $0x60  }
0xbd: {  	[dreg:$0x2] =	wrdreg s24  }
0xbe: {  	[dreg:$0x3] =	wrdreg $0x9  }
0xbf: {  	_ =	task.clear_ibuf [dreg:s22], $0x4FFFF;
	_ =	strace $0x90000049  }
0xc0: {  	s29 =	simm.s32 $0x9;
	_ =	strace $0x8000004B  }
0xc1: {  	_ =	swait.ge [sflag:s29], $0x1  }
0xc2: {  	[sflag:s29] =	ssyncadd.s32 $0xFFFFFFFF  }
0xc3: {  	_ =	strace $0x9000004B  }
0xc4: {  	_ =	sfence  }
0xc5: {  	s30 =	sld [smem:$0x0];
	_ =	sdelay $0x2  }
0xc6: {  	s31 =	sshll.u32 s1, $0xD;
	s1 =	sshrl.u32 s1, $0x2  }
0xc7: {  	s4 =	sand.u32 $0x4000, s31;
	s1 =	sadd.s32 s1, s30  }
0xc8: {  	s0 =	sor.u32 s4, s0;
	s1 =	sshll.u32 s1, $0x11  }
0xc9: {  	s0 =	sor.u32 s1, s0  }
0xca: {  	s0 =	sadd.s32 $0x8F2B, s0  }
0xcb: {  	[sflag:s0] =	ssyncadd.remote.s32 $0x1  }
0xcc: {  	_ =	sfence.sel $0xFFFF  }
0xcd: {  	[dreg:$0x0] =	wrdreg $0xFFFFFFFF;
	(pc) =	sbr.abs _section_cstart, $3  }
0xce: {  	[dreg:$0x1] =	wrdreg $0xFFFFFFFF  }
0xcf: {  	_ =	task.clear_ibuf [dreg:s22], $0x2FFFF;
	_ =	strace $0x9FFFFFFF  }
0xd0: {  	(tm) =	ssettm $0x7FFFFFFF  }
0xd1: {  	_ =	shalt  }
tec
execute0_lowered:
.L_overlay_start_1:
0x0: {  	(tag) =	ssettag $0x1  }
0x1: {  	s1 =	srdreg.scid  }
0x2: {  	s0 =	stileid.u32;
	s4 =	rddreg [dreg:$0x0]  }
0x3: {  	s2 =	simm.s32 $0x0;
	s13 =	simm.s32 $0x5200;
	s14 =	simm.s32 $0x1  }
0x4: {  	s15 =	simm.s32 $0x100;
	s16 =	simm.s32 $0x7200;
	s17 =	simm.s32 $0x180  }
0x5: {  	s18 =	simm.s32 $0x9200;
	s19 =	simm.s32 $0x2;
	s20 =	simm.s32 $0x3  }
0x6: {  	s21 =	simm.s32 $0x4;
	s22 =	simm.s32 $0x0;
	s5 =	sand.u32 $0x1, s1  }
0x7: {  	s3 =	sshll.u32 s0, $0x1;
	s1 =	rddreg [dreg:$0x1];
	s10 =	smul.u32 $0x64, s0  }
0x8: {  	s6 =	sor.u32 s5, s3;
	s9 =	ssub.s32 $0x2, s5;
	s5 =	smul.u32 $0x32, s5  }
0x9: {  	[smem:$0x7FF] =	sst s2;
	s12 =	sadd.s32 $0x32D600, s4;
	s3 =	smul.u32 $0x640, s6  }
0xa: {  	_ =	strace $0x8000004A;
	s7 =	smul.u32 $0xC8000, s6;
	s11 =	sshrl.u32 s9, $0x1  }
0xb: {  	s6 =	smul.u32 $0x19000, s6;
	s9 =	ssub.s32 s9, s11;
	s29 =	sadd.s32 s5, s10  }
0xc: {  	s10 =	simm.s32 $0x5;
	s11 =	simm.s32 $0x80;
	s8 =	sadd.s32 s3, s4  }
0xd: {  	s3 =	sadd.s32 $0xF43200, s4;
	s7 =	sshrl.u32 s7, $0x3;
	s5 =	sadd.s32 s12, s6  }
0xe: {  	s4 =	sadd.s32 $0x320E00, s8;
	s30 =	sadd.s32 s12, s7;
	s8 =	sshll.u32 s29, $0xB  }
0xf: {  	s7 =	smax.u32 s9, $0x1;
	s6 =	sadd.s32 $0x18800, s30;
	s31 =	sadd.s32 s8, s12  }
0x10: {  	s12 =	simm.s32 $0x3200;
	s8 =	sadd.s32 $0x800, s31;
	s9 =	sadd.s32 $0x1000, s31  }
.LBB2_1:
0x11: {  	[tilespmem:s2], [sflag:$0x5] =	stream.linear.gather [hbm4b:s4+s2], $0x3200, $0x38;
	[tilespmem:$0xB200] =	vst v63  }
0x12: {  	_ =	swait.ge [sflag:s10], $0x3200  }
0x13: {  	[sflag:s10] =	ssyncset.done $0x0  }
0x14: {  	[sflag:s10] =	ssyncadd.s32 $0xFFFFCE00  }
0x15: {  	[tilespmem:s12], [sflag:$0x1] =	stream.indirect.gather [hbm4b:s3+s11], $0x40, s2, s11, $0xb8;
	[tilespmem:$0xB200] =	vst v63  }
0x16: {  	_ = 	snop  }
0x17: {  	[tilespmem:s13], [sflag:$0x1] =	stream.indirect.gather [hbm4b:s3+s11], $0x40, s11, s11, $0xb8;
	[tilespmem:$0xB200] =	vst v63  }
0x18: {  	_ =	swait.ge [sflag:s14], $0x2000  }
0x19: {  	[sflag:s14] =	ssyncset.done $0x0  }
0x1a: {  	[sflag:s14] =	ssyncadd.s32 $0xFFFFE000  }
0x1b: {  	_ =	swait.ge [sflag:s14], $0x2000  }
0x1c: {  	[sflag:s14] =	ssyncset.done $0x0  }
0x1d: {  	[sflag:s14] =	ssyncadd.s32 $0xFFFFE000  }
0x1e: {  	[hbm4b:s5+s2] =	stream.linear.scatter [tilespmem:s12], [sflag:$0x3], $0x4000, $0x38;
	[tilespmem:$0xB200] =	vst v63  }
0x1f: {  	_ = 	snop  }
0x20: {  	[tilespmem:s16], [sflag:$0x2] =	stream.indirect.gather [hbm4b:s3+s11], $0x40, s15, s11, $0xb8;
	[tilespmem:$0xB200] =	vst v63  }
0x21: {  	_ = 	snop  }
0x22: {  	[tilespmem:s18], [sflag:$0x2] =	stream.indirect.gather [hbm4b:s3+s11], $0x40, s17, s11, $0xb8;
	[tilespmem:$0xB200] =	vst v63  }
0x23: {  	_ =	swait.ge [sflag:s19], $0x2000  }
0x24: {  	[sflag:s19] =	ssyncset.done $0x0  }
0x25: {  	[sflag:s19] =	ssyncadd.s32 $0xFFFFE000  }
0x26: {  	_ =	swait.ge [sflag:s19], $0x2000  }
0x27: {  	[sflag:s19] =	ssyncset.done $0x0  }
0x28: {  	[sflag:s19] =	ssyncadd.s32 $0xFFFFE000  }
0x29: {  	[hbm4b:s8+s2] =	stream.linear.scatter [tilespmem:s16], [sflag:$0x4], $0x4000, $0x38;
	[tilespmem:$0xB200] =	vst v63  }
0x2a: {  	_ =	swait.ge [sflag:s20], $0x4000  }
0x2b: {  	[sflag:s20] =	ssyncset.done $0x0  }
0x2c: {  	s23 =	simm.s32 $0x200;
	[sflag:s20] =	ssyncadd.s32 $0xFFFFC000  }
0x2d: {  	[tilespmem:s12], [sflag:$0x1] =	stream.indirect.gather [hbm4b:s3+s11], $0x40, s23, s11, $0xb8;
	[tilespmem:$0xB200] =	vst v63  }
0x2e: {  	s30 =	simm.s32 $0x280  }
0x2f: {  	[tilespmem:s13], [sflag:$0x1] =	stream.indirect.gather [hbm4b:s3+s11], $0x40, s30, s11, $0xb8;
	[tilespmem:$0xB200] =	vst v63  }
0x30: {  	_ =	swait.ge [sflag:s14], $0x2000  }
0x31: {  	[sflag:s14] =	ssyncset.done $0x0  }
0x32: {  	[sflag:s14] =	ssyncadd.s32 $0xFFFFE000  }
0x33: {  	_ =	swait.ge [sflag:s14], $0x2000  }
0x34: {  	[sflag:s14] =	ssyncset.done $0x0  }
0x35: {  	[sflag:s14] =	ssyncadd.s32 $0xFFFFE000  }
0x36: {  	[hbm4b:s9+s2] =	stream.linear.scatter [tilespmem:s12], [sflag:$0x3], $0x4000, $0x38;
	[tilespmem:$0xB200] =	vst v63  }
0x37: {  	s31 =	simm.s32 $0x300;
	_ =	swait.ge [sflag:s21], $0x4000  }
0x38: {  	s26 =	simm.s32 $0x380;
	s24 =	sadd.s32 $0x1000, s8;
	[sflag:s21] =	ssyncset.done $0x0  }
0x39: {  	s25 =	sadd.s32 $0x1000, s9;
	s23 =	simm.s32 $0x800;
	[sflag:s21] =	ssyncadd.s32 $0xFFFFC000  }
0x3a: {  	[tilespmem:s16], [sflag:$0x2] =	stream.indirect.gather [hbm4b:s3+s11], $0x40, s31, s11, $0xb8;
	[tilespmem:$0xB200] =	vst v63  }
.LBB2_2:
0x3b: {  	[tilespmem:s18], [sflag:$0x2] =	stream.indirect.gather [hbm4b:s3+s11], $0x40, s26, s11, $0xb8;
	[tilespmem:$0xB200] =	vst v63  }
0x3c: {  	s26 =	smov.u32 s23  }
0x3d: {  	p0 =	sne.s32 s23, $0xB800;
	s23 =	sadd.s32 $0x800, s23;
	_ =	swait.ge [sflag:s19], $0x2000  }
0x3e: {  	[sflag:s19] =	ssyncset.done $0x0  }
0x3f: {  	[sflag:s19] =	ssyncadd.s32 $0xFFFFE000  }
0x40: {  	_ =	swait.ge [sflag:s19], $0x2000  }
0x41: {  	[sflag:s19] =	ssyncset.done $0x0  }
0x42: {  	[sflag:s19] =	ssyncadd.s32 $0xFFFFE000  }
0x43: {  	[hbm4b:s24+s2] =	stream.linear.scatter [tilespmem:s16], [sflag:$0x4], $0x4000, $0x38;
	[tilespmem:$0xB200] =	vst v63  }
0x44: {  	_ =	swait.ge [sflag:s20], $0x4000  }
0x45: {  	s26 =	sshra.s32 s26, $0x2;
	[sflag:s20] =	ssyncset.done $0x0  }
0x46: {  	s28 =	sadd.s32 $0x200, s26;
	[sflag:s20] =	ssyncadd.s32 $0xFFFFC000  }
0x47: {  	[tilespmem:s12], [sflag:$0x1] =	stream.indirect.gather [hbm4b:s3+s11], $0x40, s28, s11, $0xb8;
	[tilespmem:$0xB200] =	vst v63  }
0x48: {  	s28 =	sadd.s32 $0x280, s26  }
0x49: {  	[tilespmem:s13], [sflag:$0x1] =	stream.indirect.gather [hbm4b:s3+s11], $0x40, s28, s11, $0xb8;
	[tilespmem:$0xB200] =	vst v63  }
0x4a: {  	_ =	swait.ge [sflag:s14], $0x2000  }
0x4b: {  	[sflag:s14] =	ssyncset.done $0x0  }
0x4c: {  	[sflag:s14] =	ssyncadd.s32 $0xFFFFE000  }
0x4d: {  	_ =	swait.ge [sflag:s14], $0x2000  }
0x4e: {  	[sflag:s14] =	ssyncset.done $0x0  }
0x4f: {  	[sflag:s14] =	ssyncadd.s32 $0xFFFFE000  }
0x50: {  	[hbm4b:s25+s2] =	stream.linear.scatter [tilespmem:s12], [sflag:$0x3], $0x4000, $0x38;
	[tilespmem:$0xB200] =	vst v63  }
.Ltmp0:
0x51: {  	_ =	swait.ge [sflag:s21], $0x4000;
	(pc) =	sbr.rel @p0 .LBB2_2-.Ltmp0, $4  }
0x52: {  	[sflag:s21] =	ssyncset.done $0x0  }
0x53: {  	s28 =	sadd.s32 $0x300, s26;
	[sflag:s21] =	ssyncadd.s32 $0xFFFFC000  }
0x54: {  	[tilespmem:s16], [sflag:$0x2] =	stream.indirect.gather [hbm4b:s3+s11], $0x40, s28, s11, $0xb8;
	[tilespmem:$0xB200] =	vst v63  }
0x55: {  	s24 =	sadd.s32 $0x1000, s24;
	s26 =	sadd.s32 $0x380, s26;
	s25 =	sadd.s32 $0x1000, s25  }
0x56: {  	[tilespmem:s18], [sflag:$0x2] =	stream.indirect.gather [hbm4b:s3+s11], $0x40, s26, s11, $0xb8;
	[tilespmem:$0xB200] =	vst v63  }
0x57: {  	_ =	swait.ge [sflag:s19], $0x2000  }
0x58: {  	[sflag:s19] =	ssyncset.done $0x0  }
0x59: {  	[sflag:s19] =	ssyncadd.s32 $0xFFFFE000  }
0x5a: {  	_ =	swait.ge [sflag:s19], $0x2000  }
0x5b: {  	[sflag:s19] =	ssyncset.done $0x0  }
0x5c: {  	s22 =	sadd.s32 $0x1, s22;
	[sflag:s19] =	ssyncadd.s32 $0xFFFFE000  }
0x5d: {  	[hbm4b:s6+s2] =	stream.linear.scatter [tilespmem:s16], [sflag:$0x4], $0x4000, $0x38;
	[tilespmem:$0xB200] =	vst v63  }
0x5e: {  	p0 =	sne.s32 s22, s7;
	_ =	swait.ge [sflag:s20], $0x4000  }
.Ltmp1:
0x5f: {  	[sflag:s20] =	ssyncset.done $0x0;
	(pc) =	sbr.rel @p0 .LBB2_1-.Ltmp1, $4  }
0x60: {  	[sflag:s20] =	ssyncadd.s32 $0xFFFFC000  }
0x61: {  	_ =	swait.ge [sflag:s21], $0x4000  }
0x62: {  	[sflag:s21] =	ssyncset.done $0x0  }
0x63: {  	[sflag:s21] =	ssyncadd.s32 $0xFFFFC000  }
0x64: {  	_ =	sfence.sel $0x180000  }
0x65: {  	[bflag:$0x0] =	sbarrier.arrive $0xFFFF  }
0x66: {  	p0 =	sne.s32 s0, $0x0;
	_ =	strace $0x9000004A  }
0x67: {  	s0 =	sadd.s32 @!p0 $0x100000, s1;
	[bflag:$0x2] =	sbarrier.arrive $0xFFFF  }
0x68: {  	[sflag:s0] =	ssyncadd.tile.s32 @!p0 $0x1;
	_ =	shalt  }
.Lfunc_end2:
_tile_overlayer_lowered:
.L_overlay_start_2:
0x69: {  	(tag) =	ssettag $0x2  }
0x6a: {  	s0 =	rddreg [dreg:$0x0];
	s2 =	stileid.u32  }
0x6b: {  	s1 =	rddreg [dreg:$0x1];
	p0 =	sne.s32 s2, $0x0  }
0x6c: {  	s3 =	rddreg [dreg:$0x2];
	[bflag:$0x3] =	sbarrier.arrive $0xFFFF;
	s2 =	simm.s32 @!p0 $0x1C05  }
0x6d: {  	[timem:s3], [sflag:s2] =	dma.local @!p0 [hbm:s0], s1  }
0x6e: {  	s0 =	simm.s32 @!p0 $0x5  }
0x6f: {  	_ =	swait.ge @!p0 [sflag:s0], s1  }
0x70: {  	s1 =	ssub.s32 @!p0 $0x0, s1;
	[sflag:s0] =	ssyncset.done @!p0 $0x0  }
0x71: {  	[sflag:s0] =	ssyncadd.s32 @!p0 s1  }
0x72: {  	[bflag:$0x3] =	sbarrier.arrive $0xFFFF  }
0x73: {  	_ =	shalt  }

// kernel: kernel.7.cloned.1.call-start
scs
__scs_entry_jumppad:
0x0: {  	(pc) =	sbr.rel $0x88, $3  }
0x1: {  	(tag) =	ssettag $0x0;
	lr =	simm.s32 $0x1  }
0x2: {  	[smem:$0x3F9F] =	sst lr;
	_ =	strace $0xD0000000  }
0x3: {  	_ = 	snop  }
0x4: {  	_ = 	snop  }
0x5: {  	_ = 	snop  }
0x6: {  	_ = 	snop  }
0x7: {  	_ = 	snop  }
__scs_overlays_trampoline_lowered:
0x8: {  	[smem:$0x3FAE] =	sst s0  }
0x9: {  	[smem:$0x3FAF] =	sst s1  }
0xa: {  	[smem:$0x3FB0] =	sst s2  }
0xb: {  	[smem:$0x3FB1] =	sst s3  }
0xc: {  	[smem:$0x3FB2] =	sst s4  }
0xd: {  	[smem:$0x3FB3] =	sst s5  }
0xe: {  	[smem:$0x3FB4] =	sst s6  }
0xf: {  	[smem:$0x3FB5] =	sst s7  }
0x10: {  	[smem:$0x3FB6] =	sst s8  }
0x11: {  	[smem:$0x3FB7] =	sst s9;
	s0 =	simm.s32 @!p0 $0x0  }
0x12: {  	s1 =	sld [smem:$0x3F9D];
	s0 =	simm.s32 @p0 $0x1  }
0x13: {  	[smem:$0x3FB8] =	sst s0;
	s0 =	simm.s32 @!p1 $0x0  }
0x14: {  	s2 =	sld [smem:$0x3F9C];
	s0 =	simm.s32 @p1 $0x1  }
0x15: {  	[smem:$0x3FB9] =	sst s0;
	s0 =	simm.s32 @!p2 $0x0  }
0x16: {  	s3 =	sld [smem:$0x3FDB];
	s0 =	simm.s32 @p2 $0x1  }
0x17: {  	s4 =	simm.s32 $0x1BF5;
	[smem:$0x3FBB] =	sst s0  }
0x18: {  	s0 =	sld [smem:$0x3F9E];
	_ =	swait.ge [sflag:s4], $0x0  }
0x19: {  	s7 =	sld [smem:$0x3F9F]  }
0x1a: {  	s8 =	sadd.s32 $0xFFFFE003, lr  }
0x1b: {  	s9 =	sadd.s32 $0xFFFFFEF7, lr;
	s5 =	simm.s32 $0xFFFFFFFF;
	p2 =	slt.u32 s8, $0xFFFFF086  }
0x1c: {  	p1 =	slt.u32 s9, $0xF7A;
	s5 =	simm.s32 @!p2 $0x0  }
0x1d: {  	s5 =	simm.s32 @p1 $0x1;
	p0 =	seq.s32 s7, s2  }
0x1e: {  	s7 =	smul.u32 @!p0 $0xF7A, s2;
	p2 =	seq.s32 @!p0 s5, $0x0  }
0x1f: {  	s9 =	smul.u32 $0xF7A, s1;
	s8 =	simm.s32 @!p0 $0x1BF5;
	p2 =	por !p2, p0  }
0x20: {  	[sflag:s8] =	ssyncset.s32 @!p0 $0xFFFFF086;
	s6 =	sadd.s32 @!p0 s3, s7;
	s7 =	simm.s32 @!p0 $0x108  }
0x21: {  	s3 =	sadd.s32 s3, s9;
	s6 =	sadd.s32 @!p0 $0x88, s6;
	s7 =	simm.s32 @p2 $0x1082  }
0x22: {  	[simem:s7], [sflag:s8] =	dma.local @!p0 [hbm:s6], $0xF7A  }
0x23: {  	s9 =	sor.u32 $0xD0000000, s2;
	s6 =	simm.s32 $0x108;
	_ =	swait.ge @!p0 [sflag:s8], $0x0  }
0x24: {  	s3 =	sadd.s32 $0x88, s3;
	s6 =	simm.s32 @!p1 $0x1082;
	[sflag:s4] =	ssyncset.s32 $0xFFFFF086  }
0x25: {  	[simem:s6], [sflag:s4] =	dma.local [hbm:s3], $0xF7A  }
0x26: {  	[smem:$0x3F9F] =	sst s1;
	(tag) =	ssettag s2;
	_ =	strace s9  }
0x27: {  	s1 =	sld [smem:$0x3FAF]  }
0x28: {  	s2 =	sld [smem:$0x3FB0]  }
0x29: {  	s4 =	sld [smem:$0x3FB2]  }
0x2a: {  	p0 =	seq.s32 s5, $0x0;
	s5 =	sld [smem:$0x3FB3]  }
0x2b: {  	s6 =	sld [smem:$0x3FB4]  }
0x2c: {  	s7 =	sld [smem:$0x3FB5]  }
0x2d: {  	s3 =	simm.s32 $0x108;
	s8 =	sld [smem:$0x3FB6]  }
0x2e: {  	s3 =	simm.s32 @!p0 $0x1082;
	s9 =	sld [smem:$0x3FB7]  }
0x2f: {  	lr =	sadd.s32 s0, s3;
	s0 =	sld [smem:$0x3FAE]  }
0x30: {  	s3 =	sld [smem:$0x3FB1]  }
0x31: {  	[smem:$0x3FBA] =	sst s10  }
0x32: {  	s10 =	sld [smem:$0x3FB8];
	_ =	sdelay $0x3  }
0x33: {  	p0 =	seq.s32 s10, $0x1;
	s10 =	sld [smem:$0x3FBA];
	_ =	sdelay $0x3  }
0x34: {  	[smem:$0x3FBA] =	sst s10  }
0x35: {  	s10 =	sld [smem:$0x3FB9];
	_ =	sdelay $0x3  }
0x36: {  	p1 =	seq.s32 s10, $0x1;
	s10 =	sld [smem:$0x3FBA];
	_ =	sdelay $0x3  }
0x37: {  	[smem:$0x3FBA] =	sst s10  }
0x38: {  	s10 =	sld [smem:$0x3FBB]  }
0x39: {  	_ = 	snop;
	(pc) =	sbr.ind lr, $3  }
0x3a: {  	_ = 	snop  }
0x3b: {  	_ = 	snop  }
0x3c: {  	p2 =	seq.s32 s10, $0x1;
	s10 =	sld [smem:$0x3FBA]  }
0x3d: {  	_ =	shalt  }
0x3e: {  	_ =	shalt  }
0x3f: {  	_ =	shalt  }
0x40: {  	_ =	shalt  }
0x41: {  	_ =	shalt  }
0x42: {  	_ =	shalt  }
0x43: {  	_ =	shalt  }
0x44: {  	_ =	shalt  }
0x45: {  	_ =	shalt  }
0x46: {  	_ =	shalt  }
0x47: {  	_ =	shalt  }
0x48: {  	_ =	shalt  }
0x49: {  	_ =	shalt  }
0x4a: {  	_ =	shalt  }
0x4b: {  	_ =	shalt  }
0x4c: {  	_ =	shalt  }
0x4d: {  	_ =	shalt  }
0x4e: {  	_ =	shalt  }
0x4f: {  	_ =	shalt  }
0x50: {  	_ =	shalt  }
0x51: {  	_ =	shalt  }
0x52: {  	_ =	shalt  }
0x53: {  	_ =	shalt  }
0x54: {  	_ =	shalt  }
0x55: {  	_ =	shalt  }
0x56: {  	_ =	shalt  }
0x57: {  	_ =	shalt  }
0x58: {  	_ =	shalt  }
0x59: {  	_ =	shalt  }
0x5a: {  	_ =	shalt  }
0x5b: {  	_ =	shalt  }
0x5c: {  	_ =	shalt  }
0x5d: {  	_ =	shalt  }
0x5e: {  	_ =	shalt  }
0x5f: {  	_ =	shalt  }
0x60: {  	_ =	shalt  }
0x61: {  	_ =	shalt  }
0x62: {  	_ =	shalt  }
0x63: {  	_ =	shalt  }
0x64: {  	_ =	shalt  }
0x65: {  	_ =	shalt  }
0x66: {  	_ =	shalt  }
0x67: {  	_ =	shalt  }
0x68: {  	_ =	shalt  }
0x69: {  	_ =	shalt  }
0x6a: {  	_ =	shalt  }
0x6b: {  	_ =	shalt  }
0x6c: {  	_ =	shalt  }
0x6d: {  	_ =	shalt  }
0x6e: {  	_ =	shalt  }
0x6f: {  	_ =	shalt  }
0x70: {  	_ =	shalt  }
0x71: {  	_ =	shalt  }
0x72: {  	_ =	shalt  }
0x73: {  	_ =	shalt  }
0x74: {  	_ =	shalt  }
0x75: {  	_ =	shalt  }
0x76: {  	_ =	shalt  }
0x77: {  	_ =	shalt  }
0x78: {  	_ =	shalt  }
0x79: {  	_ =	shalt  }
0x7a: {  	_ =	shalt  }
0x7b: {  	_ =	shalt  }
0x7c: {  	_ =	shalt  }
0x7d: {  	_ =	shalt  }
0x7e: {  	_ =	shalt  }
0x7f: {  	_ =	shalt  }
0x80: {  	_ =	shalt  }
0x81: {  	_ =	shalt  }
0x82: {  	_ =	shalt  }
0x83: {  	_ =	shalt  }
0x84: {  	_ =	shalt  }
0x85: {  	_ =	shalt  }
0x86: {  	_ =	shalt  }
0x87: {  	_ =	shalt  }
.Lfunc_end0:
.L_simem_size_0:
called_computation.2_lowered:
.L_overlay_start_0:
0x88: {  	s2 =	sld [smem:$0x3FD9]  }
0x89: {  	s3 =	sld [smem:$0x3FFE];
	_ =	sdelay $0x1  }
0x8a: {  	s1 =	srdreg.scid  }
0x8b: {  	s0 =	sand.u32 $0x1, s1  }
0x8c: {  	s17 =	sshll.u32 s0, $0xA;
	s2 =	sadd.s32 s3, s2  }
0x8d: {  	s2 =	sadd.s32 s2, s17  }
0x8e: {  	[smem:$0x3FC6] =	sst s2  }
0x8f: {  	_ = 	snop  }
0x90: {  	s2 =	sld [smem:$0x3FD0];
	(tm) =	ssettm $0x1  }
0x91: {  	s18 =	sld [smem:$0x3FFB];
	_ =	sdelay $0x3  }
0x92: {  	_ =	strace s18  }
0x93: {  	s3 =	sld [smem:$0x3FFC];
	_ =	sdelay $0x3  }
0x94: {  	_ =	strace s3  }
0x95: {  	s3 =	sld [smem:$0x3FFD];
	_ =	sdelay $0x3  }
0x96: {  	_ =	strace s3  }
0x97: {  	_ =	strace $0x8FFFFFFF  }
0x98: {  	s19 =	sld [smem:$0x3FDB];
	_ =	sdelay $0x1  }
0x99: {  	s4 =	simm.s32 $_scs_section_size  }
0x9a: {  	s5 =	simm.s32 $_size__tile_overlayer_lowered;
	s6 =	simm.s32 $_tile_overlayer_lowered  }
0x9b: {  	s22 =	simm.s32 $0x1BFF;
	s21 =	sshll.u32 s6, $0x1;
	s3 =	sadd.s32 s4, s19  }
0x9c: {  	s7 =	simm.s32 $0x0;
	s20 =	sshll.u32 s5, $0x1;
	s5 =	sadd.s32 s21, s3  }
0x9d: {  	[timem:s7], [sflag:s22] =	dma.local [hbm:s5], s20  }
0x9e: {  	_ =	swait.ge [sflag:s22], s20  }
0x9f: {  	s4 =	ssub.s32 $0x0, s20;
	[sflag:s22] =	ssyncset.done $0x0  }
0xa0: {  	[sflag:s22] =	ssyncadd.s32 s4;
	_ =	sdelay $0x1  }
0xa1: {  	s23 =	simm.s32 $0x1B8B  }
0xa2: {  	_ =	swait.ge [sflag:s23], $0x1  }
0xa3: {  	[sflag:s23] =	ssyncset.done $0x0  }
0xa4: {  	s25 =	simm.s32 $0x1B8E;
	s24 =	sld [smem:$0x3FFE];
	[sflag:s23] =	ssyncadd.s32 $0xFFFFFFFF  }
0xa5: {  	s26 =	simm.s32 $execute0_lowered;
	[smem:$0x3FD2] =	sst s25  }
0xa6: {  	s5 =	sshll.u32 s26, $0x1;
	_ =	strace $0x80000046;
	[dreg:$0x1] =	wrdreg $0xFFFFFFFF  }
0xa7: {  	s28 =	simm.s32 $_size_execute0_lowered;
	s3 =	sadd.s32 s3, s5;
	[dreg:$0x0] =	wrdreg $0x0  }
0xa8: {  	s5 =	sshll.u32 s28, $0x1;
	[dreg:$0x2] =	wrdreg s3  }
0xa9: {  	[dreg:$0x3] =	wrdreg s5  }
0xaa: {  	[dreg:$0x4] =	wrdreg $0xC0  }
0xab: {  	_ =	task [dreg:s7], $0x5FFFF  }
0xac: {  	[dreg:$0x1] =	wrdreg $0xFFFFFFFF  }
0xad: {  	[dreg:$0x0] =	wrdreg $0x60  }
0xae: {  	[dreg:$0x2] =	wrdreg s2  }
0xaf: {  	[dreg:$0x3] =	wrdreg s24  }
0xb0: {  	[dreg:$0x4] =	wrdreg $0xA  }
0xb1: {  	_ =	task.clear_ibuf [dreg:s7], $0x5FFFF;
	_ =	strace $0x90000046  }
0xb2: {  	s29 =	simm.s32 $0xA;
	_ =	strace $0x80000048  }
0xb3: {  	_ =	swait.ge [sflag:s29], $0x1  }
0xb4: {  	[sflag:s29] =	ssyncadd.s32 $0xFFFFFFFF  }
0xb5: {  	_ =	strace $0x90000048  }
0xb6: {  	_ =	sfence  }
0xb7: {  	s30 =	sld [smem:$0x0];
	_ =	sdelay $0x2  }
0xb8: {  	s31 =	sshll.u32 s1, $0xD;
	s1 =	sshrl.u32 s1, $0x2  }
0xb9: {  	s3 =	sand.u32 $0x4000, s31;
	s1 =	sadd.s32 s1, s30  }
0xba: {  	s0 =	sor.u32 s3, s0;
	s1 =	sshll.u32 s1, $0x11  }
0xbb: {  	s0 =	sor.u32 s1, s0  }
0xbc: {  	s0 =	sadd.s32 $0x8F2B, s0  }
0xbd: {  	[sflag:s0] =	ssyncadd.remote.s32 $0x1  }
0xbe: {  	_ =	sfence.sel $0xFFFF  }
0xbf: {  	[dreg:$0x0] =	wrdreg $0xFFFFFFFF;
	(pc) =	sbr.abs _section_cstart, $3  }
0xc0: {  	[dreg:$0x1] =	wrdreg $0xFFFFFFFF  }
0xc1: {  	_ =	task.clear_ibuf [dreg:s7], $0x2FFFF;
	_ =	strace $0x9FFFFFFF  }
0xc2: {  	(tm) =	ssettm $0x7FFFFFFF  }
0xc3: {  	_ =	shalt  }
tec
execute0_lowered:
.L_overlay_start_1:
0x0: {  	(tag) =	ssettag $0x1  }
0x1: {  	s1 =	srdreg.scid  }
0x2: {  	s0 =	stileid.u32;
	s4 =	rddreg [dreg:$0x0]  }
0x3: {  	s6 =	rddreg [dreg:$0x1];
	s2 =	simm.s32 $0x0;
	s14 =	simm.s32 $0x1  }
0x4: {  	s15 =	simm.s32 $0x100;
	s16 =	simm.s32 $0x7200;
	s17 =	simm.s32 $0x180  }
0x5: {  	s18 =	simm.s32 $0x9200;
	s19 =	simm.s32 $0x2;
	s20 =	simm.s32 $0x3  }
0x6: {  	s21 =	simm.s32 $0x4;
	s22 =	simm.s32 $0x0;
	s5 =	sand.u32 $0x1, s1  }
0x7: {  	s25 =	sshll.u32 s0, $0x1;
	s1 =	rddreg [dreg:$0x2];
	s11 =	smul.u32 $0x64, s0  }
0x8: {  	s7 =	sor.u32 s5, s25;
	s10 =	ssub.s32 $0x2, s5;
	s5 =	smul.u32 $0x32, s5  }
0x9: {  	[smem:$0x7FF] =	sst s2;
	s3 =	sadd.s32 $0xF43200, s6;
	s8 =	smul.u32 $0x640, s7  }
0xa: {  	s13 =	sadd.s32 $0xE00, s6;
	s9 =	smul.u32 $0xC8000, s7;
	s12 =	sshrl.u32 s10, $0x1  }
0xb: {  	_ =	strace $0x80000047;
	s26 =	smul.u32 $0x19000, s7;
	s10 =	ssub.s32 s10, s12  }
0xc: {  	s29 =	sadd.s32 s5, s11;
	s11 =	simm.s32 $0x80;
	s12 =	simm.s32 $0x3200  }
0xd: {  	s4 =	sadd.s32 s4, s8;
	s28 =	sshrl.u32 s9, $0x3;
	s5 =	sadd.s32 s13, s26  }
0xe: {  	s8 =	sshll.u32 s29, $0xB;
	s7 =	smax.u32 s10, $0x1;
	s10 =	simm.s32 $0x5  }
0xf: {  	s30 =	sadd.s32 s13, s28;
	s31 =	sadd.s32 s8, s13;
	s13 =	simm.s32 $0x5200  }
0x10: {  	s6 =	sadd.s32 $0x18800, s30;
	s8 =	sadd.s32 $0x800, s31;
	s9 =	sadd.s32 $0x1000, s31  }
.LBB2_1:
0x11: {  	[tilespmem:s2], [sflag:$0x5] =	stream.linear.gather [hbm4b:s4+s2], $0x3200, $0x38;
	[tilespmem:$0xB200] =	vst v63  }
0x12: {  	_ =	swait.ge [sflag:s10], $0x3200  }
0x13: {  	[sflag:s10] =	ssyncset.done $0x0  }
0x14: {  	[sflag:s10] =	ssyncadd.s32 $0xFFFFCE00  }
0x15: {  	[tilespmem:s12], [sflag:$0x1] =	stream.indirect.gather [hbm4b:s3+s11], $0x40, s2, s11, $0xb8;
	[tilespmem:$0xB200] =	vst v63  }
0x16: {  	_ = 	snop  }
0x17: {  	[tilespmem:s13], [sflag:$0x1] =	stream.indirect.gather [hbm4b:s3+s11], $0x40, s11, s11, $0xb8;
	[tilespmem:$0xB200] =	vst v63  }
0x18: {  	_ =	swait.ge [sflag:s14], $0x2000  }
0x19: {  	[sflag:s14] =	ssyncset.done $0x0  }
0x1a: {  	[sflag:s14] =	ssyncadd.s32 $0xFFFFE000  }
0x1b: {  	_ =	swait.ge [sflag:s14], $0x2000  }
0x1c: {  	[sflag:s14] =	ssyncset.done $0x0  }
0x1d: {  	[sflag:s14] =	ssyncadd.s32 $0xFFFFE000  }
0x1e: {  	[hbm4b:s5+s2] =	stream.linear.scatter [tilespmem:s12], [sflag:$0x3], $0x4000, $0x38;
	[tilespmem:$0xB200] =	vst v63  }
0x1f: {  	_ = 	snop  }
0x20: {  	[tilespmem:s16], [sflag:$0x2] =	stream.indirect.gather [hbm4b:s3+s11], $0x40, s15, s11, $0xb8;
	[tilespmem:$0xB200] =	vst v63  }
0x21: {  	_ = 	snop  }
0x22: {  	[tilespmem:s18], [sflag:$0x2] =	stream.indirect.gather [hbm4b:s3+s11], $0x40, s17, s11, $0xb8;
	[tilespmem:$0xB200] =	vst v63  }
0x23: {  	_ =	swait.ge [sflag:s19], $0x2000  }
0x24: {  	[sflag:s19] =	ssyncset.done $0x0  }
0x25: {  	[sflag:s19] =	ssyncadd.s32 $0xFFFFE000  }
0x26: {  	_ =	swait.ge [sflag:s19], $0x2000  }
0x27: {  	[sflag:s19] =	ssyncset.done $0x0  }
0x28: {  	[sflag:s19] =	ssyncadd.s32 $0xFFFFE000  }
0x29: {  	[hbm4b:s8+s2] =	stream.linear.scatter [tilespmem:s16], [sflag:$0x4], $0x4000, $0x38;
	[tilespmem:$0xB200] =	vst v63  }
0x2a: {  	_ =	swait.ge [sflag:s20], $0x4000  }
0x2b: {  	[sflag:s20] =	ssyncset.done $0x0  }
0x2c: {  	s23 =	simm.s32 $0x200;
	[sflag:s20] =	ssyncadd.s32 $0xFFFFC000  }
0x2d: {  	[tilespmem:s12], [sflag:$0x1] =	stream.indirect.gather [hbm4b:s3+s11], $0x40, s23, s11, $0xb8;
	[tilespmem:$0xB200] =	vst v63  }
0x2e: {  	s30 =	simm.s32 $0x280  }
0x2f: {  	[tilespmem:s13], [sflag:$0x1] =	stream.indirect.gather [hbm4b:s3+s11], $0x40, s30, s11, $0xb8;
	[tilespmem:$0xB200] =	vst v63  }
0x30: {  	_ =	swait.ge [sflag:s14], $0x2000  }
0x31: {  	[sflag:s14] =	ssyncset.done $0x0  }
0x32: {  	[sflag:s14] =	ssyncadd.s32 $0xFFFFE000  }
0x33: {  	_ =	swait.ge [sflag:s14], $0x2000  }
0x34: {  	[sflag:s14] =	ssyncset.done $0x0  }
0x35: {  	[sflag:s14] =	ssyncadd.s32 $0xFFFFE000  }
0x36: {  	[hbm4b:s9+s2] =	stream.linear.scatter [tilespmem:s12], [sflag:$0x3], $0x4000, $0x38;
	[tilespmem:$0xB200] =	vst v63  }
0x37: {  	s31 =	simm.s32 $0x300;
	_ =	swait.ge [sflag:s21], $0x4000  }
0x38: {  	s26 =	simm.s32 $0x380;
	s24 =	sadd.s32 $0x1000, s8;
	[sflag:s21] =	ssyncset.done $0x0  }
0x39: {  	s25 =	sadd.s32 $0x1000, s9;
	s23 =	simm.s32 $0x800;
	[sflag:s21] =	ssyncadd.s32 $0xFFFFC000  }
0x3a: {  	[tilespmem:s16], [sflag:$0x2] =	stream.indirect.gather [hbm4b:s3+s11], $0x40, s31, s11, $0xb8;
	[tilespmem:$0xB200] =	vst v63  }
.LBB2_2:
0x3b: {  	[tilespmem:s18], [sflag:$0x2] =	stream.indirect.gather [hbm4b:s3+s11], $0x40, s26, s11, $0xb8;
	[tilespmem:$0xB200] =	vst v63  }
0x3c: {  	s26 =	smov.u32 s23  }
0x3d: {  	p0 =	sne.s32 s23, $0xB800;
	s23 =	sadd.s32 $0x800, s23;
	_ =	swait.ge [sflag:s19], $0x2000  }
0x3e: {  	[sflag:s19] =	ssyncset.done $0x0  }
0x3f: {  	[sflag:s19] =	ssyncadd.s32 $0xFFFFE000  }
0x40: {  	_ =	swait.ge [sflag:s19], $0x2000  }
0x41: {  	[sflag:s19] =	ssyncset.done $0x0  }
0x42: {  	[sflag:s19] =	ssyncadd.s32 $0xFFFFE000  }
0x43: {  	[hbm4b:s24+s2] =	stream.linear.scatter [tilespmem:s16], [sflag:$0x4], $0x4000, $0x38;
	[tilespmem:$0xB200] =	vst v63  }
0x44: {  	_ =	swait.ge [sflag:s20], $0x4000  }
0x45: {  	s26 =	sshra.s32 s26, $0x2;
	[sflag:s20] =	ssyncset.done $0x0  }
0x46: {  	s28 =	sadd.s32 $0x200, s26;
	[sflag:s20] =	ssyncadd.s32 $0xFFFFC000  }
0x47: {  	[tilespmem:s12], [sflag:$0x1] =	stream.indirect.gather [hbm4b:s3+s11], $0x40, s28, s11, $0xb8;
	[tilespmem:$0xB200] =	vst v63  }
0x48: {  	s28 =	sadd.s32 $0x280, s26  }
0x49: {  	[tilespmem:s13], [sflag:$0x1] =	stream.indirect.gather [hbm4b:s3+s11], $0x40, s28, s11, $0xb8;
	[tilespmem:$0xB200] =	vst v63  }
0x4a: {  	_ =	swait.ge [sflag:s14], $0x2000  }
0x4b: {  	[sflag:s14] =	ssyncset.done $0x0  }
0x4c: {  	[sflag:s14] =	ssyncadd.s32 $0xFFFFE000  }
0x4d: {  	_ =	swait.ge [sflag:s14], $0x2000  }
0x4e: {  	[sflag:s14] =	ssyncset.done $0x0  }
0x4f: {  	[sflag:s14] =	ssyncadd.s32 $0xFFFFE000  }
0x50: {  	[hbm4b:s25+s2] =	stream.linear.scatter [tilespmem:s12], [sflag:$0x3], $0x4000, $0x38;
	[tilespmem:$0xB200] =	vst v63  }
.Ltmp0:
0x51: {  	_ =	swait.ge [sflag:s21], $0x4000;
	(pc) =	sbr.rel @p0 .LBB2_2-.Ltmp0, $4  }
0x52: {  	[sflag:s21] =	ssyncset.done $0x0  }
0x53: {  	s28 =	sadd.s32 $0x300, s26;
	[sflag:s21] =	ssyncadd.s32 $0xFFFFC000  }
0x54: {  	[tilespmem:s16], [sflag:$0x2] =	stream.indirect.gather [hbm4b:s3+s11], $0x40, s28, s11, $0xb8;
	[tilespmem:$0xB200] =	vst v63  }
0x55: {  	s24 =	sadd.s32 $0x1000, s24;
	s26 =	sadd.s32 $0x380, s26;
	s25 =	sadd.s32 $0x1000, s25  }
0x56: {  	[tilespmem:s18], [sflag:$0x2] =	stream.indirect.gather [hbm4b:s3+s11], $0x40, s26, s11, $0xb8;
	[tilespmem:$0xB200] =	vst v63  }
0x57: {  	_ =	swait.ge [sflag:s19], $0x2000  }
0x58: {  	[sflag:s19] =	ssyncset.done $0x0  }
0x59: {  	[sflag:s19] =	ssyncadd.s32 $0xFFFFE000  }
0x5a: {  	_ =	swait.ge [sflag:s19], $0x2000  }
0x5b: {  	[sflag:s19] =	ssyncset.done $0x0  }
0x5c: {  	s22 =	sadd.s32 $0x1, s22;
	[sflag:s19] =	ssyncadd.s32 $0xFFFFE000  }
0x5d: {  	[hbm4b:s6+s2] =	stream.linear.scatter [tilespmem:s16], [sflag:$0x4], $0x4000, $0x38;
	[tilespmem:$0xB200] =	vst v63  }
0x5e: {  	p0 =	sne.s32 s22, s7;
	_ =	swait.ge [sflag:s20], $0x4000  }
.Ltmp1:
0x5f: {  	[sflag:s20] =	ssyncset.done $0x0;
	(pc) =	sbr.rel @p0 .LBB2_1-.Ltmp1, $4  }
0x60: {  	[sflag:s20] =	ssyncadd.s32 $0xFFFFC000  }
0x61: {  	_ =	swait.ge [sflag:s21], $0x4000  }
0x62: {  	[sflag:s21] =	ssyncset.done $0x0  }
0x63: {  	[sflag:s21] =	ssyncadd.s32 $0xFFFFC000  }
0x64: {  	_ =	sfence.sel $0x180000  }
0x65: {  	[bflag:$0x0] =	sbarrier.arrive $0xFFFF  }
0x66: {  	p0 =	sne.s32 s0, $0x0;
	_ =	strace $0x90000047  }
0x67: {  	s0 =	sadd.s32 @!p0 $0x100000, s1;
	[bflag:$0x2] =	sbarrier.arrive $0xFFFF  }
0x68: {  	[sflag:s0] =	ssyncadd.tile.s32 @!p0 $0x1;
	_ =	shalt  }
.Lfunc_end2:
_tile_overlayer_lowered:
.L_overlay_start_2:
0x69: {  	(tag) =	ssettag $0x2  }
0x6a: {  	s0 =	rddreg [dreg:$0x0];
	s2 =	stileid.u32  }
0x6b: {  	s1 =	rddreg [dreg:$0x1];
	p0 =	sne.s32 s2, $0x0  }
0x6c: {  	s3 =	rddreg [dreg:$0x2];
	[bflag:$0x3] =	sbarrier.arrive $0xFFFF;
	s2 =	simm.s32 @!p0 $0x1C05  }
0x6d: {  	[timem:s3], [sflag:s2] =	dma.local @!p0 [hbm:s0], s1  }
0x6e: {  	s0 =	simm.s32 @!p0 $0x5  }
0x6f: {  	_ =	swait.ge @!p0 [sflag:s0], s1  }
0x70: {  	s1 =	ssub.s32 @!p0 $0x0, s1;
	[sflag:s0] =	ssyncset.done @!p0 $0x0  }
0x71: {  	[sflag:s0] =	ssyncadd.s32 @!p0 s1  }
0x72: {  	[bflag:$0x3] =	sbarrier.arrive $0xFFFF  }
0x73: {  	_ =	shalt  }

// kernel: sparse-core-data-format-call.cloned.1.call-start
scs
called_computation_lowered:
.L_overlay_start_0:
0x0: {  	s2 =	sld [smem:$0x3FD9]  }
0x1: {  	s3 =	sld [smem:$0x3FFE];
	_ =	sdelay $0x1  }
0x2: {  	s1 =	srdreg.scid  }
0x3: {  	s0 =	sand.u32 $0x1, s1  }
0x4: {  	s18 =	sshll.u32 s0, $0xA;
	s2 =	sadd.s32 s3, s2  }
0x5: {  	s2 =	sadd.s32 s2, s18  }
0x6: {  	[smem:$0x3FC6] =	sst s2  }
0x7: {  	_ = 	snop  }
0x8: {  	s2 =	sld [smem:$0x3FD0];
	(tm) =	ssettm $0x1  }
0x9: {  	s19 =	sld [smem:$0x3FFB];
	_ =	sdelay $0x3  }
0xa: {  	_ =	strace s19  }
0xb: {  	s3 =	sld [smem:$0x3FFC];
	_ =	sdelay $0x3  }
0xc: {  	_ =	strace s3  }
0xd: {  	s3 =	sld [smem:$0x3FFD];
	_ =	sdelay $0x3  }
0xe: {  	_ =	strace s3  }
0xf: {  	_ =	strace $0x8FFFFFFF  }
0x10: {  	s20 =	sld [smem:$0x3FDB];
	_ =	sdelay $0x1  }
0x11: {  	s4 =	simm.s32 $_scs_section_size  }
0x12: {  	s5 =	simm.s32 $_size__tile_overlayer_lowered;
	s6 =	simm.s32 $_tile_overlayer_lowered  }
0x13: {  	s23 =	simm.s32 $0x1BFF;
	s22 =	sshll.u32 s6, $0x1;
	s3 =	sadd.s32 s4, s20  }
0x14: {  	s7 =	simm.s32 $0x0;
	s21 =	sshll.u32 s5, $0x1;
	s5 =	sadd.s32 s22, s3  }
0x15: {  	[timem:s7], [sflag:s23] =	dma.local [hbm:s5], s21  }
0x16: {  	_ =	swait.ge [sflag:s23], s21  }
0x17: {  	s4 =	ssub.s32 $0x0, s21;
	[sflag:s23] =	ssyncset.done $0x0  }
0x18: {  	[sflag:s23] =	ssyncadd.s32 s4;
	_ =	sdelay $0x1  }
0x19: {  	s24 =	simm.s32 $0x1B8B  }
0x1a: {  	_ =	swait.ge [sflag:s24], $0x1  }
0x1b: {  	[sflag:s24] =	ssyncset.done $0x0  }
0x1c: {  	s26 =	simm.s32 $0x1B8E;
	s25 =	sld [smem:$0x3FFE];
	[sflag:s24] =	ssyncadd.s32 $0xFFFFFFFF  }
0x1d: {  	s27 =	simm.s32 $execute0_lowered;
	[smem:$0x3FD2] =	sst s26  }
0x1e: {  	s5 =	sshll.u32 s27, $0x1;
	_ =	strace $0x8000004C;
	[dreg:$0x1] =	wrdreg $0xFFFFFFFF  }
0x1f: {  	s28 =	simm.s32 $_size_execute0_lowered;
	s3 =	sadd.s32 s3, s5;
	[dreg:$0x0] =	wrdreg $0x0  }
0x20: {  	s5 =	sshll.u32 s28, $0x1;
	[dreg:$0x2] =	wrdreg s3  }
0x21: {  	[dreg:$0x3] =	wrdreg s5  }
0x22: {  	[dreg:$0x4] =	wrdreg $0xC0  }
0x23: {  	_ =	task [dreg:s7], $0x5FFFF  }
0x24: {  	[dreg:$0x1] =	wrdreg $0xFFFFFFFF  }
0x25: {  	[dreg:$0x0] =	wrdreg $0x60  }
0x26: {  	[dreg:$0x2] =	wrdreg s25  }
0x27: {  	[dreg:$0x3] =	wrdreg s2  }
0x28: {  	[dreg:$0x4] =	wrdreg $0x9  }
0x29: {  	_ =	task.clear_ibuf [dreg:s7], $0x5FFFF;
	_ =	strace $0x9000004C  }
0x2a: {  	s29 =	simm.s32 $0x9;
	_ =	strace $0x8000004E  }
0x2b: {  	_ =	swait.ge [sflag:s29], $0x1  }
0x2c: {  	[sflag:s29] =	ssyncadd.s32 $0xFFFFFFFF  }
0x2d: {  	_ =	strace $0x9000004E  }
0x2e: {  	_ =	sfence  }
0x2f: {  	s30 =	sld [smem:$0x0];
	_ =	sdelay $0x2  }
0x30: {  	s31 =	sshll.u32 s1, $0xD;
	s1 =	sshrl.u32 s1, $0x2  }
0x31: {  	s3 =	sand.u32 $0x4000, s31;
	s1 =	sadd.s32 s1, s30  }
0x32: {  	s0 =	sor.u32 s3, s0;
	s1 =	sshll.u32 s1, $0x11  }
0x33: {  	s0 =	sor.u32 s1, s0  }
0x34: {  	s0 =	sadd.s32 $0x8F2B, s0  }
0x35: {  	[sflag:s0] =	ssyncadd.remote.s32 $0x1  }
0x36: {  	_ =	sfence.sel $0xFFFF  }
0x37: {  	[dreg:$0x0] =	wrdreg $0xFFFFFFFF;
	(pc) =	sbr.abs _section_cstart, $3  }
0x38: {  	[dreg:$0x1] =	wrdreg $0xFFFFFFFF  }
0x39: {  	_ =	task.clear_ibuf [dreg:s7], $0x2FFFF;
	_ =	strace $0x9FFFFFFF  }
0x3a: {  	(tm) =	ssettm $0x7FFFFFFF  }
0x3b: {  	_ =	shalt  }
tec
execute0_lowered:
.L_overlay_start_1:
0x0: {  	(tag) =	ssettag $0x1  }
0x1: {  	s0 =	srdreg.scid  }
0x2: {  	s1 =	sshll.u32 s0, $0x4  }
0x3: {  	s4 =	rddreg [dreg:$0x0];
	s0 =	stileid.u32;
	s1 =	sand.u32 $0x10, s1  }
0x4: {  	s2 =	rddreg [dreg:$0x1];
	s7 =	simm.s32 $0x1;
	s1 =	sor.u32 s0, s1  }
0x5: {  	s8 =	simm.s32 $0x2;
	s11 =	simm.s32 $0x0;
	s3 =	sshll.u32 s1, $0x7  }
0x6: {  	s10 =	simm.s32 $0x0;
	s4 =	sadd.s32 $0xC8D600, s4;
	s6 =	ssub.s32 $0xC8000, s3  }
.Ltmp0:
0x7: {  	s1 =	rddreg [dreg:$0x2];
	s5 =	sand.u32 $0xF80, s6;
	(pc) =	sbr.rel .LBB1_1-.Ltmp0, $4  }
0x8: {  	_ =	strace $0x8000004D;
	s9 =	smov.u32 s3;
	p0 =	sne.s32 s5, $0x0  }
0x9: {  	s6 =	sshrl.u32 s6, $0xC;
	s5 =	simm.s32 $0x1;
	s7 =	simm.s32 @!p0 $0x0  }
0xa: {  	[sflag:s5] =	ssyncpa.u1 $0x0;
	p0 =	por $0x0, $0x0;
	s6 =	sadd.s32 s7, s6  }
0xb: {  	[sflag:s8] =	ssyncpa.u1 $0x0;
	s8 =	simm.s32 $0x640000;
	s7 =	sadd.s32 $0x1, s6  }
.LBB1_4:
0xc: {  	s14 =	sshll.u32 s11, $0x3  }
0xd: {  	s30 =	sand.u32 $0x7F, s11;
	s15 =	sand.u32 $0xFFFFFC00, s14  }
0xe: {  	s11 =	sor.u32 s30, s15  }
0xf: {  	s15 =	smulhi.u32 $0x51EB851F, s11  }
0x10: {  	s14 =	smulhi.u32 $0x51EB851F, s14  }
0x11: {  	s15 =	sshrl.u32 s15, $0x12  }
0x12: {  	s14 =	sshrl.u32 s14, $0x12;
	s15 =	smul.u32 $0xC8000, s15  }
0x13: {  	s14 =	sand.u32 $0x3F, s14  }
0x14: {  	s14 =	smul.u32 $0x19000, s14;
	s11 =	ssub.s32 s11, s15  }
0x15: {  	[tilespmem:s13+$0x810 ss:$0x81] =	vst.msk $0xffff, v2;
	s15 =	sand.u32 $0x7, s11  }
0x16: {  	[tilespmem:s13+$0x1020 ss:$0x81] =	vst.msk $0xffff, v0;
	s14 =	sadd.s32 s2, s14;
	s11 =	sshrl.u32 s11, $0x3;
	s15 =	sshll.u32 s15, $0x12  }
0x17: {  	[tilespmem:s13+$0x0 ss:$0x81] =	vst.msk $0xffff, v1;
	s11 =	sadd.s32 s11, s14;
	s31 =	sor.u32 $0x400, s15  }
0x18: {  	[hbm4b:s11+s31] =	stream.strided.scatter [tilespmem:s12], [sflag:$0x2], $0x2000, s8, s31, $0x20;
	[tilespmem:$0x8080] =	vst v63  }
.LBB1_5:
0x19: {  	s13 =	sadd.s32 $0x1000, s9  }
0x1a: {  	p2 =	sgt.s32 s13, $0xC7FFF  }
0x1b: {  	s13 =	smov.u32 @p2 s3;
	p2 =	sne.s32 s10, s7  }
.Ltmp1:
0x1c: {  	p1 =	slt.u32 s10, $0x2;
	(pc) =	sbr.rel @!p2 .LBB1_6-.Ltmp1, $4  }
0x1d: {  	s12 =	simm.s32 @!p1 $0x2  }
0x1e: {  	s14 =	sadd.s32 $0x1, s10;
	_ =	swait.ge @!p1 [sflag:s12], $0x2000  }
0x1f: {  	s11 =	smov.u32 s9;
	p0 =	por !p0, !p0;
	[sflag:s12] =	ssyncset.done @!p1 $0x0  }
0x20: {  	s10 =	smov.u32 s14;
	s9 =	smov.u32 s13;
	[sflag:s12] =	ssyncadd.s32 @!p1 $0xFFFFE000  }
.LBB1_1:
0x21: {  	p1 =	sge.u32 s10, s6  }
0x22: {  	s12 =	sand.u32 @!p1 $0x1FFFFFF, s9  }
0x23: {  	s13 =	smulhi.u32 @!p1 $0x147AE15, s12;
	_ =	sdelay $0x1  }
0x24: {  	s13 =	sshrl.u32 @!p1 s13, $0xC  }
0x25: {  	s13 =	smul.u32 @!p1 $0xC8000, s13;
	_ =	sdelay $0x1  }
0x26: {  	s31 =	sadd.s32 $0xFFFFFFFF, s10;
	s14 =	sxor.u32 @!p1 $0xFFFFFFFF, s10;
	s12 =	ssub.s32 @!p1 s12, s13  }
0x27: {  	s15 =	simm.s32 @!p1 $0x80;
	s14 =	sshll.u32 @!p1 s14, $0xD;
	s12 =	sshll.u32 @!p1 s12, $0x4  }
0x28: {  	s13 =	sand.u32 @!p1 $0x2000, s14;
	s14 =	simm.s32 @!p1 $0x40;
	s12 =	sadd.s32 @!p1 s4, s12  }
0x29: {  	[tilespmem:s13], [sflag:$0x1] =	stream.strided.gather @!p1 [hbm4b:s12+s14], $0x2000, s15, s14, $0x38;
	[tilespmem:$0x8080] =	vst v63  }
0x2a: {  	p1 =	sge.u32 s31, s6  }
.Ltmp2:
0x2b: {  	_ = 	snop;
	(pc) =	sbr.rel @p1 .LBB1_5-.Ltmp2, $1  }
0x2c: {  	_ =	sdelay $0x3  }
0x2d: {  	s12 =	simm.s32 $0x1  }
0x2e: {  	_ =	swait.ge [sflag:s5], $0x2000;
	s12 =	simm.s32 @!p0 $0x0  }
0x2f: {  	[sflag:s5] =	ssyncset.done $0x0;
	s13 =	sshll.u32 s12, $0xD  }
0x30: {  	[sflag:s5] =	ssyncadd.s32 $0xFFFFE000;
	s16 =	sor.u32 $0x20, s13  }
0x31: {  	s12 =	smul.u32 $0x8100, s12;
	v3 =	vld [tilespmem:s16+$0x10]  }
0x32: {  	s30 =	sand.u32 $0x1, s10;
	v2 =	vld [tilespmem:s16+$0xFFFFFFF0]  }
0x33: {  	s13 =	smul.u32 $0x8100, s30;
	s12 =	sshrl.u32 s12, $0x2;
	v0 =	vld [tilespmem:s16+$0x0]  }
0x34: {  	v1 =	vld [tilespmem:s16+$0xFFFFFFE0];
	s14 =	sor.u32 $0x4000, s12  }
0x35: {  	s31 =	sshrl.u32 s13, $0x2;
	s13 =	sadd.s32 $0x0, s14  }
0x36: {  	s15 =	simm.s32 $0x4;
	s16 =	sadd.s32 $0x40, s16;
	s12 =	sor.u32 $0x4000, s31;
	[tilespmem:s13+$0x1830 ss:$0x81] =	vst.msk $0xffff, v3  }
.LBB1_3:
0x37: {  	v3 =	vld [tilespmem:s16+$0x10];
	p1 =	sne.s32 s15, $0x1FC;
	[tilespmem:s13+$0x810 ss:$0x81] =	vst.msk $0xffff, v2;
	s17 =	smov.u32 s15;
	s15 =	sadd.s32 $0x4, s15  }
.Ltmp3:
0x38: {  	v2 =	vld [tilespmem:s16+$0xFFFFFFF0];
	[tilespmem:s13+$0x1020 ss:$0x81] =	vst.msk $0xffff, v0;
	(pc) =	sbr.rel @p1 .LBB1_3-.Ltmp3, $4  }
0x39: {  	v0 =	vld [tilespmem:s16+$0x0];
	[tilespmem:s13+$0x0 ss:$0x81] =	vst.msk $0xffff, v1  }
0x3a: {  	s13 =	sshra.s32 s17, $0x2;
	v1 =	vld [tilespmem:s16+$0xFFFFFFE0]  }
0x3b: {  	s13 =	sadd.s32 s13, s14  }
0x3c: {  	s16 =	sadd.s32 $0x40, s16;
	[tilespmem:s13+$0x1830 ss:$0x81] =	vst.msk $0xffff, v3  }
.Ltmp4:
0x3d: {  	_ = 	snop;
	(pc) =	sbr.rel .LBB1_4-.Ltmp4, $1  }
0x3e: {  	_ =	sdelay $0x3  }
.LBB1_6:
0x3f: {  	_ =	sfence.sel $0x180000  }
0x40: {  	s2 =	simm.s32 $0x1;
	[bflag:$0x0] =	sbarrier.arrive $0xFFFF  }
0x41: {  	s31 =	simm.s32 $0x2;
	[sflag:s2] =	ssyncpa.u1 $0x1  }
0x42: {  	[sflag:s31] =	ssyncpa.u1 $0x1  }
0x43: {  	p0 =	sne.s32 s0, $0x0;
	_ =	strace $0x9000004D  }
0x44: {  	s0 =	sadd.s32 @!p0 $0x100000, s1;
	[bflag:$0x2] =	sbarrier.arrive $0xFFFF  }
0x45: {  	[sflag:s0] =	ssyncadd.tile.s32 @!p0 $0x1;
	_ =	shalt  }
.Lfunc_end1:
_tile_overlayer_lowered:
.L_overlay_start_2:
0x46: {  	(tag) =	ssettag $0x2  }
0x47: {  	s0 =	rddreg [dreg:$0x0];
	s2 =	stileid.u32  }
0x48: {  	s1 =	rddreg [dreg:$0x1];
	p0 =	sne.s32 s2, $0x0  }
0x49: {  	s3 =	rddreg [dreg:$0x2];
	[bflag:$0x3] =	sbarrier.arrive $0xFFFF;
	s2 =	simm.s32 @!p0 $0x1C01  }
0x4a: {  	[timem:s3], [sflag:s2] =	dma.local @!p0 [hbm:s0], s1  }
0x4b: {  	s0 =	simm.s32 @!p0 $0x1  }
0x4c: {  	_ =	swait.ge @!p0 [sflag:s0], s1  }
0x4d: {  	s1 =	ssub.s32 @!p0 $0x0, s1;
	[sflag:s0] =	ssyncset.done @!p0 $0x0  }
0x4e: {  	[sflag:s0] =	ssyncadd.s32 @!p0 s1  }
0x4f: {  	[bflag:$0x3] =	sbarrier.arrive $0xFFFF  }
0x50: {  	_ =	shalt  }

</sc_bundles>
